<compile_context>
chip_gen: v7x
topology: tpu7x:2x2x1
jax: 0.10.2.dev20260603
libtpu: 0.0.44.dev20260713+nightly
codegen_flags: <defaults>
</compile_context>

<pallas_src>
import functools

import jax
import jax.numpy as jnp
from jax import lax
from jax.experimental import pallas as pl
from jax.experimental.pallas import tpu as pltpu
from jax.experimental.pallas import tpu_sc as plsc

VOCAB = 100000
EDIM = 64
B = 4096
L = 200
NUM_TABLES = 4

NC = 2
NS = 16
NW = NC * NS
PAIRS = B * L
PPW = PAIRS // NW
PCH = L
NCH = PPW // PCH
NG = PCH // 8


def _make_gather():
    mesh = plsc.VectorSubcoreMesh(core_axis_name="c", subcore_axis_name="s",
                                  num_cores=NC)

    @functools.partial(
        pl.kernel,
        mesh=mesh,
        compiler_params=pltpu.CompilerParams(use_tc_tiling_on_sc=False),
        out_type=jax.ShapeDtypeStruct((PAIRS // 8, 2, 8, 128), jnp.float32),
        scratch_types=[
            pltpu.VMEM((NUM_TABLES, PCH), jnp.int32),
            pltpu.VMEM((NUM_TABLES, PCH), jnp.int32),
            pltpu.VMEM((NUM_TABLES, PCH, EDIM), jnp.float32),
            pltpu.VMEM((NUM_TABLES, PCH, EDIM), jnp.float32),
            pltpu.SemaphoreType.DMA,
            pltpu.SemaphoreType.DMA,
            pltpu.SemaphoreType.DMA,
            pltpu.SemaphoreType.DMA,
        ],
    )
    def gather_kernel(t0, t1, t2, t3, i0_hbm, i1_hbm, i2_hbm, i3_hbm,
                      out_hbm, idx_v0, idx_v1, rows_v0, rows_v1,
                      isem, gsem, wsem0, wsem1):
        tables = (t0, t1, t2, t3)
        idxs = (i0_hbm, i1_hbm, i2_hbm, i3_hbm)
        wid = lax.axis_index("s") * NC + lax.axis_index("c")
        w0 = wid * PPW

        w0r = wid * NCH

        def issue_idx(i, dst):
            for t in range(NUM_TABLES):
                pltpu.async_copy(idxs[t].at[w0r + i], dst.at[t], isem)

        def wait_idx():
            for t in range(NUM_TABLES):
                pltpu.make_async_copy(idxs[t].at[w0r],
                                      idx_v0.at[t], isem).wait()

        def issue_gather(idx_v, rows_v):
            for t in range(NUM_TABLES):
                pltpu.async_copy(tables[t].at[idx_v.at[t]],
                                 rows_v.at[t], gsem)

        def wait_gather(idx_v, rows_v):
            for t in range(NUM_TABLES):
                pltpu.make_async_copy(tables[t].at[idx_v.at[t]],
                                      rows_v.at[t], gsem).wait()

        def issue_write(i, rows_v, wsem):
            g0 = (w0 + i * PCH) // 8

            def wbody(g, carry):
                for t in range(NUM_TABLES):
                    pltpu.async_copy(
                        rows_v.at[t, pl.ds(8 * g, 8)],
                        out_hbm.at[g0 + g, t // 2, :,
                                   pl.ds((t % 2) * EDIM, EDIM)],
                        wsem)
                return carry

            lax.fori_loop(0, NG, wbody, 0)

        def wait_write(rows_v, wsem):
            def wbody(g, carry):
                for t in range(NUM_TABLES):
                    pltpu.make_async_copy(
                        rows_v.at[t, pl.ds(0, 8)],
                        out_hbm.at[w0 // 8, t // 2, :,
                                   pl.ds((t % 2) * EDIM, EDIM)],
                        wsem).wait()
                return carry

            lax.fori_loop(0, NG, wbody, 0)

        issue_idx(0, idx_v0)
        issue_idx(1, idx_v1)
        wait_idx()
        issue_gather(idx_v0, rows_v0)

        def body(k, carry):
            c0 = 2 * k
            c1 = c0 + 1
            wait_gather(idx_v0, rows_v0)
            issue_write(c0, rows_v0, wsem0)

            @pl.when(k > 0)
            def _():
                wait_write(rows_v1, wsem1)

            wait_idx()
            issue_gather(idx_v1, rows_v1)

            @pl.when(c0 + 2 < NCH)
            def _():
                issue_idx(c0 + 2, idx_v0)

            wait_gather(idx_v1, rows_v1)
            issue_write(c1, rows_v1, wsem1)
            wait_write(rows_v0, wsem0)

            @pl.when(c1 + 1 < NCH)
            def _():
                wait_idx()
                issue_gather(idx_v0, rows_v0)

            @pl.when(c1 + 2 < NCH)
            def _():
                issue_idx(c1 + 2, idx_v1)

            return carry

        lax.fori_loop(0, NCH // 2, body, 0)
        wait_write(rows_v1, wsem1)

    return gather_kernel


_gather = _make_gather()


def kernel(num_mentions_total, num_mentions_named, num_mentions_nominal,
           num_mentions_pronominal, W_total, W_named, W_nominal,
           W_pronominal):
    out4 = _gather(W_total, W_named, W_nominal, W_pronominal,
                   num_mentions_total.astype(jnp.int32),
                   num_mentions_named.astype(jnp.int32),
                   num_mentions_nominal.astype(jnp.int32),
                   num_mentions_pronominal.astype(jnp.int32))
    out5 = out4.reshape(B, L // 8, 2, 8, 128).transpose(0, 1, 3, 2, 4)
    return out5.reshape(B, L, NUM_TABLES * EDIM)

# --- scband reference (transcript-rebuilt; emitter-appended) ---
"""Pipeline reference for scband-salience-embedding-25941602468523 (READ-ONLY COPY).

The authoritative reference and input builder live on the scoring server;
editing this copy changes nothing except your own understanding.
"""

import jax, jax.numpy as jnp
import numpy as np

VOCAB = 100000
EDIM = 64
B = 4096
L = 200

def setup_inputs(seed: int = 0) -> dict:
    key = jax.random.key(seed)
    k1, k2, k3, k4, k5, k6, k7, k8 = jax.random.split(key, 8)
    num_mentions_total = jax.random.randint(k1, (B, L), 0, VOCAB, dtype=jnp.int64 if jax.config.jax_enable_x64 else jnp.int32)
    num_mentions_named = jax.random.randint(k2, (B, L), 0, VOCAB, dtype=num_mentions_total.dtype)
    num_mentions_nominal = jax.random.randint(k3, (B, L), 0, VOCAB, dtype=num_mentions_total.dtype)
    num_mentions_pronominal = jax.random.randint(k4, (B, L), 0, VOCAB, dtype=num_mentions_total.dtype)
    W_total = jax.random.normal(k5, (VOCAB, EDIM), dtype=jnp.float32)
    W_named = jax.random.normal(k6, (VOCAB, EDIM), dtype=jnp.float32)
    W_nominal = jax.random.normal(k7, (VOCAB, EDIM), dtype=jnp.float32)
    W_pronominal = jax.random.normal(k8, (VOCAB, EDIM), dtype=jnp.float32)
    return {
        'num_mentions_total': num_mentions_total,
        'num_mentions_named': num_mentions_named,
        'num_mentions_nominal': num_mentions_nominal,
        'num_mentions_pronominal': num_mentions_pronominal,
        'W_total': W_total,
        'W_named': W_named,
        'W_nominal': W_nominal,
        'W_pronominal': W_pronominal,
    }

def reference(num_mentions_total, num_mentions_named, num_mentions_nominal, num_mentions_pronominal, W_total, W_named, W_nominal, W_pronominal):
    total_embed = jnp.take(W_total, num_mentions_total, axis=0)
    named_embed = jnp.take(W_named, num_mentions_named, axis=0)
    nominal_embed = jnp.take(W_nominal, num_mentions_nominal, axis=0)
    pronominal_embed = jnp.take(W_pronominal, num_mentions_pronominal, axis=0)
    return jnp.concatenate([total_embed, named_embed, nominal_embed, pronominal_embed], axis=2)

if __name__ == "__main__":
    import jax
    _d = setup_inputs()
    print(jax.jit(kernel)(*tuple(_d.values())))

</pallas_src>

<mosaic_0001>
#map = affine_map<(d0, d1) -> (0, 0)>
#map1 = affine_map<(d0, d1) -> (0, 0, 0, 0)>
module attributes {stable_mosaic.version = 14 : i64} {
  func.func @gather_kernel(%arg0: i32, %arg1: i32, %arg2: memref<100000x64xf32, #tpu.memory_space<hbm>>, %arg3: memref<100000x64xf32, #tpu.memory_space<hbm>>, %arg4: memref<100000x64xf32, #tpu.memory_space<hbm>>, %arg5: memref<100000x64xf32, #tpu.memory_space<hbm>>, %arg6: memref<4096x200xi32, #tpu.memory_space<hbm>>, %arg7: memref<4096x200xi32, #tpu.memory_space<hbm>>, %arg8: memref<4096x200xi32, #tpu.memory_space<hbm>>, %arg9: memref<4096x200xi32, #tpu.memory_space<hbm>>, %arg10: memref<102400x2x8x128xf32, #tpu.memory_space<hbm>>, %arg11: memref<4x200xi32, #tpu.memory_space<vmem>>, %arg12: memref<4x200xi32, #tpu.memory_space<vmem>>, %arg13: memref<4x200x64xf32, #tpu.memory_space<vmem>>, %arg14: memref<4x200x64xf32, #tpu.memory_space<vmem>>, %arg15: memref<!tpu.dma_semaphore, #tpu.memory_space<semaphore_mem>>, %arg16: memref<!tpu.dma_semaphore, #tpu.memory_space<semaphore_mem>>, %arg17: memref<!tpu.dma_semaphore, #tpu.memory_space<semaphore_mem>>, %arg18: memref<!tpu.dma_semaphore, #tpu.memory_space<semaphore_mem>>) attributes {dimension_semantics = [#tpu.dimension_semantics<core_parallel>, #tpu.dimension_semantics<subcore_parallel>], iteration_bounds = array<i64: 2, 16>, scalar_prefetch = 0 : i64, scratch_operands = 8 : i64, tpu.core_type = #tpu.core_type<sc_vector_subcore>, window_params = [{transform_indices = #map}, {transform_indices = #map}, {transform_indices = #map}, {transform_indices = #map}, {transform_indices = #map}, {transform_indices = #map}, {transform_indices = #map}, {transform_indices = #map}, {transform_indices = #map1}]} {
    %mul3A = arith.constant 2 : i32
    %mul3A_0 = arith.muli %arg1, %mul3A : i32
    %add3A = arith.addi %mul3A_0, %arg0 : i32
    %mul3A_1 = arith.constant 25600 : i32
    %mul3A_2 = arith.muli %add3A, %mul3A_1 : i32
    %mul3A_3 = arith.constant 128 : i32
    %mul3A_4 = arith.muli %add3A, %mul3A_3 : i32
    %add3A_5 = arith.constant 0 : i32
    %add3A_6 = arith.addi %mul3A_4, %add3A_5 : i32
    %dma_start3A = arith.constant 0 : i32
    %dma_start3A_7 = arith.constant 0 : i32
    %dma_start3A_8 = tpu.memref_slice %arg11[%dma_start3A, %dma_start3A_7] : memref<4x200xi32, #tpu.memory_space<vmem>> -> memref<1x200xi32, #tpu.memory_space<vmem>>
    %dma_start3A_9 = tpu.memref_squeeze %dma_start3A_8 : memref<1x200xi32, #tpu.memory_space<vmem>> -> memref<200xi32, #tpu.memory_space<vmem>>
    %dma_start3A_10 = arith.constant 0 : i32
    %dma_start3A_11 = tpu.memref_slice %arg6[%add3A_6, %dma_start3A_10] : memref<4096x200xi32, #tpu.memory_space<hbm>> -> memref<1x200xi32, #tpu.memory_space<hbm>>
    %dma_start3A_12 = tpu.memref_squeeze %dma_start3A_11 : memref<1x200xi32, #tpu.memory_space<hbm>> -> memref<200xi32, #tpu.memory_space<hbm>>
    %dma_start3A_13 = arith.constant 0 : i32
    %dma_start3A_14 = tpu.memref_slice %arg11[%dma_start3A, %dma_start3A_13] : memref<4x200xi32, #tpu.memory_space<vmem>> -> memref<1x200xi32, #tpu.memory_space<vmem>>
    %dma_start3A_15 = tpu.memref_squeeze %dma_start3A_14 : memref<1x200xi32, #tpu.memory_space<vmem>> -> memref<200xi32, #tpu.memory_space<vmem>>
    %dma_start3A_16 = arith.constant 0 : i32
    %dma_start3A_17 = tpu.memref_slice %arg6[%add3A_6, %dma_start3A_16] : memref<4096x200xi32, #tpu.memory_space<hbm>> -> memref<1x200xi32, #tpu.memory_space<hbm>>
    %dma_start3A_18 = tpu.memref_squeeze %dma_start3A_17 : memref<1x200xi32, #tpu.memory_space<hbm>> -> memref<200xi32, #tpu.memory_space<hbm>>
    tpu.enqueue_dma source(%dma_start3A_18 : memref<200xi32, #tpu.memory_space<hbm>>) target(%dma_start3A_15 : memref<200xi32, #tpu.memory_space<vmem>>) target_semaphore(%arg15 : memref<!tpu.dma_semaphore, #tpu.memory_space<semaphore_mem>>)
    %add3A_19 = arith.constant 0 : i32
    %add3A_20 = arith.addi %mul3A_4, %add3A_19 : i32
    %dma_start3A_21 = arith.constant 1 : i32
    %dma_start3A_22 = arith.constant 0 : i32
    %dma_start3A_23 = tpu.memref_slice %arg11[%dma_start3A_21, %dma_start3A_22] : memref<4x200xi32, #tpu.memory_space<vmem>> -> memref<1x200xi32, #tpu.memory_space<vmem>>
    %dma_start3A_24 = tpu.memref_squeeze %dma_start3A_23 : memref<1x200xi32, #tpu.memory_space<vmem>> -> memref<200xi32, #tpu.memory_space<vmem>>
    %dma_start3A_25 = arith.constant 0 : i32
    %dma_start3A_26 = tpu.memref_slice %arg7[%add3A_20, %dma_start3A_25] : memref<4096x200xi32, #tpu.memory_space<hbm>> -> memref<1x200xi32, #tpu.memory_space<hbm>>
    %dma_start3A_27 = tpu.memref_squeeze %dma_start3A_26 : memref<1x200xi32, #tpu.memory_space<hbm>> -> memref<200xi32, #tpu.memory_space<hbm>>
    %dma_start3A_28 = arith.constant 0 : i32
    %dma_start3A_29 = tpu.memref_slice %arg11[%dma_start3A_21, %dma_start3A_28] : memref<4x200xi32, #tpu.memory_space<vmem>> -> memref<1x200xi32, #tpu.memory_space<vmem>>
    %dma_start3A_30 = tpu.memref_squeeze %dma_start3A_29 : memref<1x200xi32, #tpu.memory_space<vmem>> -> memref<200xi32, #tpu.memory_space<vmem>>
    %dma_start3A_31 = arith.constant 0 : i32
    %dma_start3A_32 = tpu.memref_slice %arg7[%add3A_20, %dma_start3A_31] : memref<4096x200xi32, #tpu.memory_space<hbm>> -> memref<1x200xi32, #tpu.memory_space<hbm>>
    %dma_start3A_33 = tpu.memref_squeeze %dma_start3A_32 : memref<1x200xi32, #tpu.memory_space<hbm>> -> memref<200xi32, #tpu.memory_space<hbm>>
    tpu.enqueue_dma source(%dma_start3A_33 : memref<200xi32, #tpu.memory_space<hbm>>) target(%dma_start3A_30 : memref<200xi32, #tpu.memory_space<vmem>>) target_semaphore(%arg15 : memref<!tpu.dma_semaphore, #tpu.memory_space<semaphore_mem>>)
    %add3A_34 = arith.constant 0 : i32
    %add3A_35 = arith.addi %mul3A_4, %add3A_34 : i32
    %dma_start3A_36 = arith.constant 2 : i32
    %dma_start3A_37 = arith.constant 0 : i32
    %dma_start3A_38 = tpu.memref_slice %arg11[%dma_start3A_36, %dma_start3A_37] : memref<4x200xi32, #tpu.memory_space<vmem>> -> memref<1x200xi32, #tpu.memory_space<vmem>>
    %dma_start3A_39 = tpu.memref_squeeze %dma_start3A_38 : memref<1x200xi32, #tpu.memory_space<vmem>> -> memref<200xi32, #tpu.memory_space<vmem>>
    %dma_start3A_40 = arith.constant 0 : i32
    %dma_start3A_41 = tpu.memref_slice %arg8[%add3A_35, %dma_start3A_40] : memref<4096x200xi32, #tpu.memory_space<hbm>> -> memref<1x200xi32, #tpu.memory_space<hbm>>
    %dma_start3A_42 = tpu.memref_squeeze %dma_start3A_41 : memref<1x200xi32, #tpu.memory_space<hbm>> -> memref<200xi32, #tpu.memory_space<hbm>>
    %dma_start3A_43 = arith.constant 0 : i32
    %dma_start3A_44 = tpu.memref_slice %arg11[%dma_start3A_36, %dma_start3A_43] : memref<4x200xi32, #tpu.memory_space<vmem>> -> memref<1x200xi32, #tpu.memory_space<vmem>>
    %dma_start3A_45 = tpu.memref_squeeze %dma_start3A_44 : memref<1x200xi32, #tpu.memory_space<vmem>> -> memref<200xi32, #tpu.memory_space<vmem>>
    %dma_start3A_46 = arith.constant 0 : i32
    %dma_start3A_47 = tpu.memref_slice %arg8[%add3A_35, %dma_start3A_46] : memref<4096x200xi32, #tpu.memory_space<hbm>> -> memref<1x200xi32, #tpu.memory_space<hbm>>
    %dma_start3A_48 = tpu.memref_squeeze %dma_start3A_47 : memref<1x200xi32, #tpu.memory_space<hbm>> -> memref<200xi32, #tpu.memory_space<hbm>>
    tpu.enqueue_dma source(%dma_start3A_48 : memref<200xi32, #tpu.memory_space<hbm>>) target(%dma_start3A_45 : memref<200xi32, #tpu.memory_space<vmem>>) target_semaphore(%arg15 : memref<!tpu.dma_semaphore, #tpu.memory_space<semaphore_mem>>)
    %add3A_49 = arith.constant 0 : i32
    %add3A_50 = arith.addi %mul3A_4, %add3A_49 : i32
    %dma_start3A_51 = arith.constant 3 : i32
    %dma_start3A_52 = arith.constant 0 : i32
    %dma_start3A_53 = tpu.memref_slice %arg11[%dma_start3A_51, %dma_start3A_52] : memref<4x200xi32, #tpu.memory_space<vmem>> -> memref<1x200xi32, #tpu.memory_space<vmem>>
    %dma_start3A_54 = tpu.memref_squeeze %dma_start3A_53 : memref<1x200xi32, #tpu.memory_space<vmem>> -> memref<200xi32, #tpu.memory_space<vmem>>
    %dma_start3A_55 = arith.constant 0 : i32
    %dma_start3A_56 = tpu.memref_slice %arg9[%add3A_50, %dma_start3A_55] : memref<4096x200xi32, #tpu.memory_space<hbm>> -> memref<1x200xi32, #tpu.memory_space<hbm>>
    %dma_start3A_57 = tpu.memref_squeeze %dma_start3A_56 : memref<1x200xi32, #tpu.memory_space<hbm>> -> memref<200xi32, #tpu.memory_space<hbm>>
    %dma_start3A_58 = arith.constant 0 : i32
    %dma_start3A_59 = tpu.memref_slice %arg11[%dma_start3A_51, %dma_start3A_58] : memref<4x200xi32, #tpu.memory_space<vmem>> -> memref<1x200xi32, #tpu.memory_space<vmem>>
    %dma_start3A_60 = tpu.memref_squeeze %dma_start3A_59 : memref<1x200xi32, #tpu.memory_space<vmem>> -> memref<200xi32, #tpu.memory_space<vmem>>
    %dma_start3A_61 = arith.constant 0 : i32
    %dma_start3A_62 = tpu.memref_slice %arg9[%add3A_50, %dma_start3A_61] : memref<4096x200xi32, #tpu.memory_space<hbm>> -> memref<1x200xi32, #tpu.memory_space<hbm>>
    %dma_start3A_63 = tpu.memref_squeeze %dma_start3A_62 : memref<1x200xi32, #tpu.memory_space<hbm>> -> memref<200xi32, #tpu.memory_space<hbm>>
    tpu.enqueue_dma source(%dma_start3A_63 : memref<200xi32, #tpu.memory_space<hbm>>) target(%dma_start3A_60 : memref<200xi32, #tpu.memory_space<vmem>>) target_semaphore(%arg15 : memref<!tpu.dma_semaphore, #tpu.memory_space<semaphore_mem>>)
    %add3A_64 = arith.constant 1 : i32
    %add3A_65 = arith.addi %mul3A_4, %add3A_64 : i32
    %dma_start3A_66 = arith.constant 0 : i32
    %dma_start3A_67 = arith.constant 0 : i32
    %dma_start3A_68 = tpu.memref_slice %arg12[%dma_start3A_66, %dma_start3A_67] : memref<4x200xi32, #tpu.memory_space<vmem>> -> memref<1x200xi32, #tpu.memory_space<vmem>>
    %dma_start3A_69 = tpu.memref_squeeze %dma_start3A_68 : memref<1x200xi32, #tpu.memory_space<vmem>> -> memref<200xi32, #tpu.memory_space<vmem>>
    %dma_start3A_70 = arith.constant 0 : i32
    %dma_start3A_71 = tpu.memref_slice %arg6[%add3A_65, %dma_start3A_70] : memref<4096x200xi32, #tpu.memory_space<hbm>> -> memref<1x200xi32, #tpu.memory_space<hbm>>
    %dma_start3A_72 = tpu.memref_squeeze %dma_start3A_71 : memref<1x200xi32, #tpu.memory_space<hbm>> -> memref<200xi32, #tpu.memory_space<hbm>>
    %dma_start3A_73 = arith.constant 0 : i32
    %dma_start3A_74 = tpu.memref_slice %arg12[%dma_start3A_66, %dma_start3A_73] : memref<4x200xi32, #tpu.memory_space<vmem>> -> memref<1x200xi32, #tpu.memory_space<vmem>>
    %dma_start3A_75 = tpu.memref_squeeze %dma_start3A_74 : memref<1x200xi32, #tpu.memory_space<vmem>> -> memref<200xi32, #tpu.memory_space<vmem>>
    %dma_start3A_76 = arith.constant 0 : i32
    %dma_start3A_77 = tpu.memref_slice %arg6[%add3A_65, %dma_start3A_76] : memref<4096x200xi32, #tpu.memory_space<hbm>> -> memref<1x200xi32, #tpu.memory_space<hbm>>
    %dma_start3A_78 = tpu.memref_squeeze %dma_start3A_77 : memref<1x200xi32, #tpu.memory_space<hbm>> -> memref<200xi32, #tpu.memory_space<hbm>>
    tpu.enqueue_dma source(%dma_start3A_78 : memref<200xi32, #tpu.memory_space<hbm>>) target(%dma_start3A_75 : memref<200xi32, #tpu.memory_space<vmem>>) target_semaphore(%arg15 : memref<!tpu.dma_semaphore, #tpu.memory_space<semaphore_mem>>)
    %add3A_79 = arith.constant 1 : i32
    %add3A_80 = arith.addi %mul3A_4, %add3A_79 : i32
    %dma_start3A_81 = arith.constant 1 : i32
    %dma_start3A_82 = arith.constant 0 : i32
    %dma_start3A_83 = tpu.memref_slice %arg12[%dma_start3A_81, %dma_start3A_82] : memref<4x200xi32, #tpu.memory_space<vmem>> -> memref<1x200xi32, #tpu.memory_space<vmem>>
    %dma_start3A_84 = tpu.memref_squeeze %dma_start3A_83 : memref<1x200xi32, #tpu.memory_space<vmem>> -> memref<200xi32, #tpu.memory_space<vmem>>
    %dma_start3A_85 = arith.constant 0 : i32
    %dma_start3A_86 = tpu.memref_slice %arg7[%add3A_80, %dma_start3A_85] : memref<4096x200xi32, #tpu.memory_space<hbm>> -> memref<1x200xi32, #tpu.memory_space<hbm>>
    %dma_start3A_87 = tpu.memref_squeeze %dma_start3A_86 : memref<1x200xi32, #tpu.memory_space<hbm>> -> memref<200xi32, #tpu.memory_space<hbm>>
    %dma_start3A_88 = arith.constant 0 : i32
    %dma_start3A_89 = tpu.memref_slice %arg12[%dma_start3A_81, %dma_start3A_88] : memref<4x200xi32, #tpu.memory_space<vmem>> -> memref<1x200xi32, #tpu.memory_space<vmem>>
    %dma_start3A_90 = tpu.memref_squeeze %dma_start3A_89 : memref<1x200xi32, #tpu.memory_space<vmem>> -> memref<200xi32, #tpu.memory_space<vmem>>
    %dma_start3A_91 = arith.constant 0 : i32
    %dma_start3A_92 = tpu.memref_slice %arg7[%add3A_80, %dma_start3A_91] : memref<4096x200xi32, #tpu.memory_space<hbm>> -> memref<1x200xi32, #tpu.memory_space<hbm>>
    %dma_start3A_93 = tpu.memref_squeeze %dma_start3A_92 : memref<1x200xi32, #tpu.memory_space<hbm>> -> memref<200xi32, #tpu.memory_space<hbm>>
    tpu.enqueue_dma source(%dma_start3A_93 : memref<200xi32, #tpu.memory_space<hbm>>) target(%dma_start3A_90 : memref<200xi32, #tpu.memory_space<vmem>>) target_semaphore(%arg15 : memref<!tpu.dma_semaphore, #tpu.memory_space<semaphore_mem>>)
    %add3A_94 = arith.constant 1 : i32
    %add3A_95 = arith.addi %mul3A_4, %add3A_94 : i32
    %dma_start3A_96 = arith.constant 2 : i32
    %dma_start3A_97 = arith.constant 0 : i32
    %dma_start3A_98 = tpu.memref_slice %arg12[%dma_start3A_96, %dma_start3A_97] : memref<4x200xi32, #tpu.memory_space<vmem>> -> memref<1x200xi32, #tpu.memory_space<vmem>>
    %dma_start3A_99 = tpu.memref_squeeze %dma_start3A_98 : memref<1x200xi32, #tpu.memory_space<vmem>> -> memref<200xi32, #tpu.memory_space<vmem>>
    %dma_start3A_100 = arith.constant 0 : i32
    %dma_start3A_101 = tpu.memref_slice %arg8[%add3A_95, %dma_start3A_100] : memref<4096x200xi32, #tpu.memory_space<hbm>> -> memref<1x200xi32, #tpu.memory_space<hbm>>
    %dma_start3A_102 = tpu.memref_squeeze %dma_start3A_101 : memref<1x200xi32, #tpu.memory_space<hbm>> -> memref<200xi32, #tpu.memory_space<hbm>>
    %dma_start3A_103 = arith.constant 0 : i32
    %dma_start3A_104 = tpu.memref_slice %arg12[%dma_start3A_96, %dma_start3A_103] : memref<4x200xi32, #tpu.memory_space<vmem>> -> memref<1x200xi32, #tpu.memory_space<vmem>>
    %dma_start3A_105 = tpu.memref_squeeze %dma_start3A_104 : memref<1x200xi32, #tpu.memory_space<vmem>> -> memref<200xi32, #tpu.memory_space<vmem>>
    %dma_start3A_106 = arith.constant 0 : i32
    %dma_start3A_107 = tpu.memref_slice %arg8[%add3A_95, %dma_start3A_106] : memref<4096x200xi32, #tpu.memory_space<hbm>> -> memref<1x200xi32, #tpu.memory_space<hbm>>
    %dma_start3A_108 = tpu.memref_squeeze %dma_start3A_107 : memref<1x200xi32, #tpu.memory_space<hbm>> -> memref<200xi32, #tpu.memory_space<hbm>>
    tpu.enqueue_dma source(%dma_start3A_108 : memref<200xi32, #tpu.memory_space<hbm>>) target(%dma_start3A_105 : memref<200xi32, #tpu.memory_space<vmem>>) target_semaphore(%arg15 : memref<!tpu.dma_semaphore, #tpu.memory_space<semaphore_mem>>)
    %add3A_109 = arith.constant 1 : i32
    %add3A_110 = arith.addi %mul3A_4, %add3A_109 : i32
    %dma_start3A_111 = arith.constant 3 : i32
    %dma_start3A_112 = arith.constant 0 : i32
    %dma_start3A_113 = tpu.memref_slice %arg12[%dma_start3A_111, %dma_start3A_112] : memref<4x200xi32, #tpu.memory_space<vmem>> -> memref<1x200xi32, #tpu.memory_space<vmem>>
    %dma_start3A_114 = tpu.memref_squeeze %dma_start3A_113 : memref<1x200xi32, #tpu.memory_space<vmem>> -> memref<200xi32, #tpu.memory_space<vmem>>
    %dma_start3A_115 = arith.constant 0 : i32
    %dma_start3A_116 = tpu.memref_slice %arg9[%add3A_110, %dma_start3A_115] : memref<4096x200xi32, #tpu.memory_space<hbm>> -> memref<1x200xi32, #tpu.memory_space<hbm>>
    %dma_start3A_117 = tpu.memref_squeeze %dma_start3A_116 : memref<1x200xi32, #tpu.memory_space<hbm>> -> memref<200xi32, #tpu.memory_space<hbm>>
    %dma_start3A_118 = arith.constant 0 : i32
    %dma_start3A_119 = tpu.memref_slice %arg12[%dma_start3A_111, %dma_start3A_118] : memref<4x200xi32, #tpu.memory_space<vmem>> -> memref<1x200xi32, #tpu.memory_space<vmem>>
    %dma_start3A_120 = tpu.memref_squeeze %dma_start3A_119 : memref<1x200xi32, #tpu.memory_space<vmem>> -> memref<200xi32, #tpu.memory_space<vmem>>
    %dma_start3A_121 = arith.constant 0 : i32
    %dma_start3A_122 = tpu.memref_slice %arg9[%add3A_110, %dma_start3A_121] : memref<4096x200xi32, #tpu.memory_space<hbm>> -> memref<1x200xi32, #tpu.memory_space<hbm>>
    %dma_start3A_123 = tpu.memref_squeeze %dma_start3A_122 : memref<1x200xi32, #tpu.memory_space<hbm>> -> memref<200xi32, #tpu.memory_space<hbm>>
    tpu.enqueue_dma source(%dma_start3A_123 : memref<200xi32, #tpu.memory_space<hbm>>) target(%dma_start3A_120 : memref<200xi32, #tpu.memory_space<vmem>>) target_semaphore(%arg15 : memref<!tpu.dma_semaphore, #tpu.memory_space<semaphore_mem>>)
    %dma_wait3A = arith.constant 0 : i32
    %dma_wait3A_124 = arith.constant 0 : i32
    %dma_wait3A_125 = tpu.memref_slice %arg11[%dma_wait3A, %dma_wait3A_124] : memref<4x200xi32, #tpu.memory_space<vmem>> -> memref<1x200xi32, #tpu.memory_space<vmem>>
    %dma_wait3A_126 = tpu.memref_squeeze %dma_wait3A_125 : memref<1x200xi32, #tpu.memory_space<vmem>> -> memref<200xi32, #tpu.memory_space<vmem>>
    %dma_wait3A_127 = arith.constant 0 : i32
    %dma_wait3A_128 = tpu.memref_slice %arg6[%mul3A_4, %dma_wait3A_127] : memref<4096x200xi32, #tpu.memory_space<hbm>> -> memref<1x200xi32, #tpu.memory_space<hbm>>
    %dma_wait3A_129 = tpu.memref_squeeze %dma_wait3A_128 : memref<1x200xi32, #tpu.memory_space<hbm>> -> memref<200xi32, #tpu.memory_space<hbm>>
    %dma_wait3A_130 = arith.constant 0 : i32
    %dma_wait3A_131 = tpu.memref_slice %arg11[%dma_wait3A, %dma_wait3A_130] : memref<4x200xi32, #tpu.memory_space<vmem>> -> memref<1x200xi32, #tpu.memory_space<vmem>>
    %dma_wait3A_132 = tpu.memref_squeeze %dma_wait3A_131 : memref<1x200xi32, #tpu.memory_space<vmem>> -> memref<200xi32, #tpu.memory_space<vmem>>
    %dma_wait3A_133 = arith.constant 0 : i32
    %dma_wait3A_134 = tpu.memref_slice %arg6[%mul3A_4, %dma_wait3A_133] : memref<4096x200xi32, #tpu.memory_space<hbm>> -> memref<1x200xi32, #tpu.memory_space<hbm>>
    %dma_wait3A_135 = tpu.memref_squeeze %dma_wait3A_134 : memref<1x200xi32, #tpu.memory_space<hbm>> -> memref<200xi32, #tpu.memory_space<hbm>>
    tpu.wait_dma2 semaphore(%arg15 : memref<!tpu.dma_semaphore, #tpu.memory_space<semaphore_mem>>) src(%dma_wait3A_135 : memref<200xi32, #tpu.memory_space<hbm>>) dst(%dma_wait3A_132 : memref<200xi32, #tpu.memory_space<vmem>>)
    %dma_wait3A_136 = arith.constant 1 : i32
    %dma_wait3A_137 = arith.constant 0 : i32
    %dma_wait3A_138 = tpu.memref_slice %arg11[%dma_wait3A_136, %dma_wait3A_137] : memref<4x200xi32, #tpu.memory_space<vmem>> -> memref<1x200xi32, #tpu.memory_space<vmem>>
    %dma_wait3A_139 = tpu.memref_squeeze %dma_wait3A_138 : memref<1x200xi32, #tpu.memory_space<vmem>> -> memref<200xi32, #tpu.memory_space<vmem>>
    %dma_wait3A_140 = arith.constant 0 : i32
    %dma_wait3A_141 = tpu.memref_slice %arg7[%mul3A_4, %dma_wait3A_140] : memref<4096x200xi32, #tpu.memory_space<hbm>> -> memref<1x200xi32, #tpu.memory_space<hbm>>
    %dma_wait3A_142 = tpu.memref_squeeze %dma_wait3A_141 : memref<1x200xi32, #tpu.memory_space<hbm>> -> memref<200xi32, #tpu.memory_space<hbm>>
    %dma_wait3A_143 = arith.constant 0 : i32
    %dma_wait3A_144 = tpu.memref_slice %arg11[%dma_wait3A_136, %dma_wait3A_143] : memref<4x200xi32, #tpu.memory_space<vmem>> -> memref<1x200xi32, #tpu.memory_space<vmem>>
    %dma_wait3A_145 = tpu.memref_squeeze %dma_wait3A_144 : memref<1x200xi32, #tpu.memory_space<vmem>> -> memref<200xi32, #tpu.memory_space<vmem>>
    %dma_wait3A_146 = arith.constant 0 : i32
    %dma_wait3A_147 = tpu.memref_slice %arg7[%mul3A_4, %dma_wait3A_146] : memref<4096x200xi32, #tpu.memory_space<hbm>> -> memref<1x200xi32, #tpu.memory_space<hbm>>
    %dma_wait3A_148 = tpu.memref_squeeze %dma_wait3A_147 : memref<1x200xi32, #tpu.memory_space<hbm>> -> memref<200xi32, #tpu.memory_space<hbm>>
    tpu.wait_dma2 semaphore(%arg15 : memref<!tpu.dma_semaphore, #tpu.memory_space<semaphore_mem>>) src(%dma_wait3A_148 : memref<200xi32, #tpu.memory_space<hbm>>) dst(%dma_wait3A_145 : memref<200xi32, #tpu.memory_space<vmem>>)
    %dma_wait3A_149 = arith.constant 2 : i32
    %dma_wait3A_150 = arith.constant 0 : i32
    %dma_wait3A_151 = tpu.memref_slice %arg11[%dma_wait3A_149, %dma_wait3A_150] : memref<4x200xi32, #tpu.memory_space<vmem>> -> memref<1x200xi32, #tpu.memory_space<vmem>>
    %dma_wait3A_152 = tpu.memref_squeeze %dma_wait3A_151 : memref<1x200xi32, #tpu.memory_space<vmem>> -> memref<200xi32, #tpu.memory_space<vmem>>
    %dma_wait3A_153 = arith.constant 0 : i32
    %dma_wait3A_154 = tpu.memref_slice %arg8[%mul3A_4, %dma_wait3A_153] : memref<4096x200xi32, #tpu.memory_space<hbm>> -> memref<1x200xi32, #tpu.memory_space<hbm>>
    %dma_wait3A_155 = tpu.memref_squeeze %dma_wait3A_154 : memref<1x200xi32, #tpu.memory_space<hbm>> -> memref<200xi32, #tpu.memory_space<hbm>>
    %dma_wait3A_156 = arith.constant 0 : i32
    %dma_wait3A_157 = tpu.memref_slice %arg11[%dma_wait3A_149, %dma_wait3A_156] : memref<4x200xi32, #tpu.memory_space<vmem>> -> memref<1x200xi32, #tpu.memory_space<vmem>>
    %dma_wait3A_158 = tpu.memref_squeeze %dma_wait3A_157 : memref<1x200xi32, #tpu.memory_space<vmem>> -> memref<200xi32, #tpu.memory_space<vmem>>
    %dma_wait3A_159 = arith.constant 0 : i32
    %dma_wait3A_160 = tpu.memref_slice %arg8[%mul3A_4, %dma_wait3A_159] : memref<4096x200xi32, #tpu.memory_space<hbm>> -> memref<1x200xi32, #tpu.memory_space<hbm>>
    %dma_wait3A_161 = tpu.memref_squeeze %dma_wait3A_160 : memref<1x200xi32, #tpu.memory_space<hbm>> -> memref<200xi32, #tpu.memory_space<hbm>>
    tpu.wait_dma2 semaphore(%arg15 : memref<!tpu.dma_semaphore, #tpu.memory_space<semaphore_mem>>) src(%dma_wait3A_161 : memref<200xi32, #tpu.memory_space<hbm>>) dst(%dma_wait3A_158 : memref<200xi32, #tpu.memory_space<vmem>>)
    %dma_wait3A_162 = arith.constant 3 : i32
    %dma_wait3A_163 = arith.constant 0 : i32
    %dma_wait3A_164 = tpu.memref_slice %arg11[%dma_wait3A_162, %dma_wait3A_163] : memref<4x200xi32, #tpu.memory_space<vmem>> -> memref<1x200xi32, #tpu.memory_space<vmem>>
    %dma_wait3A_165 = tpu.memref_squeeze %dma_wait3A_164 : memref<1x200xi32, #tpu.memory_space<vmem>> -> memref<200xi32, #tpu.memory_space<vmem>>
    %dma_wait3A_166 = arith.constant 0 : i32
    %dma_wait3A_167 = tpu.memref_slice %arg9[%mul3A_4, %dma_wait3A_166] : memref<4096x200xi32, #tpu.memory_space<hbm>> -> memref<1x200xi32, #tpu.memory_space<hbm>>
    %dma_wait3A_168 = tpu.memref_squeeze %dma_wait3A_167 : memref<1x200xi32, #tpu.memory_space<hbm>> -> memref<200xi32, #tpu.memory_space<hbm>>
    %dma_wait3A_169 = arith.constant 0 : i32
    %dma_wait3A_170 = tpu.memref_slice %arg11[%dma_wait3A_162, %dma_wait3A_169] : memref<4x200xi32, #tpu.memory_space<vmem>> -> memref<1x200xi32, #tpu.memory_space<vmem>>
    %dma_wait3A_171 = tpu.memref_squeeze %dma_wait3A_170 : memref<1x200xi32, #tpu.memory_space<vmem>> -> memref<200xi32, #tpu.memory_space<vmem>>
    %dma_wait3A_172 = arith.constant 0 : i32
    %dma_wait3A_173 = tpu.memref_slice %arg9[%mul3A_4, %dma_wait3A_172] : memref<4096x200xi32, #tpu.memory_space<hbm>> -> memref<1x200xi32, #tpu.memory_space<hbm>>
    %dma_wait3A_174 = tpu.memref_squeeze %dma_wait3A_173 : memref<1x200xi32, #tpu.memory_space<hbm>> -> memref<200xi32, #tpu.memory_space<hbm>>
    tpu.wait_dma2 semaphore(%arg15 : memref<!tpu.dma_semaphore, #tpu.memory_space<semaphore_mem>>) src(%dma_wait3A_174 : memref<200xi32, #tpu.memory_space<hbm>>) dst(%dma_wait3A_171 : memref<200xi32, #tpu.memory_space<vmem>>)
    %dma_start3A_175 = arith.constant 0 : i32
    %dma_start3A_176 = arith.constant 0 : i32
    %dma_start3A_177 = arith.constant 0 : i32
    %dma_start3A_178 = arith.constant 0 : i32
    %dma_start3A_179 = tpu.memref_slice %arg13[%dma_start3A_176, %dma_start3A_177, %dma_start3A_178] : memref<4x200x64xf32, #tpu.memory_space<vmem>> -> memref<1x200x64xf32, #tpu.memory_space<vmem>>
    %dma_start3A_180 = tpu.memref_squeeze %dma_start3A_179 : memref<1x200x64xf32, #tpu.memory_space<vmem>> -> memref<200x64xf32, #tpu.memory_space<vmem>>
    %dma_start3A_181 = arith.constant 0 : i32
    %dma_start3A_182 = tpu.memref_slice %arg11[%dma_start3A_175, %dma_start3A_181] : memref<4x200xi32, #tpu.memory_space<vmem>> -> memref<1x200xi32, #tpu.memory_space<vmem>>
    %dma_start3A_183 = tpu.memref_squeeze %dma_start3A_182 : memref<1x200xi32, #tpu.memory_space<vmem>> -> memref<200xi32, #tpu.memory_space<vmem>>
    %dma_start3A_184 = arith.constant 0 : i32
    %dma_start3A_185 = arith.constant 0 : i32
    %dma_start3A_186 = tpu.memref_slice %arg2[%dma_start3A_184, %dma_start3A_185] : memref<100000x64xf32, #tpu.memory_space<hbm>> -> memref<100000x64xf32, #tpu.memory_space<hbm>>
    tpu.enqueue_indirect_dma source(%dma_start3A_186 : memref<100000x64xf32, #tpu.memory_space<hbm>>) target(%dma_start3A_180 : memref<200x64xf32, #tpu.memory_space<vmem>>) offsets(%dma_start3A_183 : memref<200xi32, #tpu.memory_space<vmem>>) semaphore(%arg16 : memref<!tpu.dma_semaphore, #tpu.memory_space<semaphore_mem>>)
    %dma_start3A_187 = arith.constant 1 : i32
    %dma_start3A_188 = arith.constant 1 : i32
    %dma_start3A_189 = arith.constant 0 : i32
    %dma_start3A_190 = arith.constant 0 : i32
    %dma_start3A_191 = tpu.memref_slice %arg13[%dma_start3A_188, %dma_start3A_189, %dma_start3A_190] : memref<4x200x64xf32, #tpu.memory_space<vmem>> -> memref<1x200x64xf32, #tpu.memory_space<vmem>>
    %dma_start3A_192 = tpu.memref_squeeze %dma_start3A_191 : memref<1x200x64xf32, #tpu.memory_space<vmem>> -> memref<200x64xf32, #tpu.memory_space<vmem>>
    %dma_start3A_193 = arith.constant 0 : i32
    %dma_start3A_194 = tpu.memref_slice %arg11[%dma_start3A_187, %dma_start3A_193] : memref<4x200xi32, #tpu.memory_space<vmem>> -> memref<1x200xi32, #tpu.memory_space<vmem>>
    %dma_start3A_195 = tpu.memref_squeeze %dma_start3A_194 : memref<1x200xi32, #tpu.memory_space<vmem>> -> memref<200xi32, #tpu.memory_space<vmem>>
    %dma_start3A_196 = arith.constant 0 : i32
    %dma_start3A_197 = arith.constant 0 : i32
    %dma_start3A_198 = tpu.memref_slice %arg3[%dma_start3A_196, %dma_start3A_197] : memref<100000x64xf32, #tpu.memory_space<hbm>> -> memref<100000x64xf32, #tpu.memory_space<hbm>>
    tpu.enqueue_indirect_dma source(%dma_start3A_198 : memref<100000x64xf32, #tpu.memory_space<hbm>>) target(%dma_start3A_192 : memref<200x64xf32, #tpu.memory_space<vmem>>) offsets(%dma_start3A_195 : memref<200xi32, #tpu.memory_space<vmem>>) semaphore(%arg16 : memref<!tpu.dma_semaphore, #tpu.memory_space<semaphore_mem>>)
    %dma_start3A_199 = arith.constant 2 : i32
    %dma_start3A_200 = arith.constant 2 : i32
    %dma_start3A_201 = arith.constant 0 : i32
    %dma_start3A_202 = arith.constant 0 : i32
    %dma_start3A_203 = tpu.memref_slice %arg13[%dma_start3A_200, %dma_start3A_201, %dma_start3A_202] : memref<4x200x64xf32, #tpu.memory_space<vmem>> -> memref<1x200x64xf32, #tpu.memory_space<vmem>>
    %dma_start3A_204 = tpu.memref_squeeze %dma_start3A_203 : memref<1x200x64xf32, #tpu.memory_space<vmem>> -> memref<200x64xf32, #tpu.memory_space<vmem>>
    %dma_start3A_205 = arith.constant 0 : i32
    %dma_start3A_206 = tpu.memref_slice %arg11[%dma_start3A_199, %dma_start3A_205] : memref<4x200xi32, #tpu.memory_space<vmem>> -> memref<1x200xi32, #tpu.memory_space<vmem>>
    %dma_start3A_207 = tpu.memref_squeeze %dma_start3A_206 : memref<1x200xi32, #tpu.memory_space<vmem>> -> memref<200xi32, #tpu.memory_space<vmem>>
    %dma_start3A_208 = arith.constant 0 : i32
    %dma_start3A_209 = arith.constant 0 : i32
    %dma_start3A_210 = tpu.memref_slice %arg4[%dma_start3A_208, %dma_start3A_209] : memref<100000x64xf32, #tpu.memory_space<hbm>> -> memref<100000x64xf32, #tpu.memory_space<hbm>>
    tpu.enqueue_indirect_dma source(%dma_start3A_210 : memref<100000x64xf32, #tpu.memory_space<hbm>>) target(%dma_start3A_204 : memref<200x64xf32, #tpu.memory_space<vmem>>) offsets(%dma_start3A_207 : memref<200xi32, #tpu.memory_space<vmem>>) semaphore(%arg16 : memref<!tpu.dma_semaphore, #tpu.memory_space<semaphore_mem>>)
    %dma_start3A_211 = arith.constant 3 : i32
    %dma_start3A_212 = arith.constant 3 : i32
    %dma_start3A_213 = arith.constant 0 : i32
    %dma_start3A_214 = arith.constant 0 : i32
    %dma_start3A_215 = tpu.memref_slice %arg13[%dma_start3A_212, %dma_start3A_213, %dma_start3A_214] : memref<4x200x64xf32, #tpu.memory_space<vmem>> -> memref<1x200x64xf32, #tpu.memory_space<vmem>>
    %dma_start3A_216 = tpu.memref_squeeze %dma_start3A_215 : memref<1x200x64xf32, #tpu.memory_space<vmem>> -> memref<200x64xf32, #tpu.memory_space<vmem>>
    %dma_start3A_217 = arith.constant 0 : i32
    %dma_start3A_218 = tpu.memref_slice %arg11[%dma_start3A_211, %dma_start3A_217] : memref<4x200xi32, #tpu.memory_space<vmem>> -> memref<1x200xi32, #tpu.memory_space<vmem>>
    %dma_start3A_219 = tpu.memref_squeeze %dma_start3A_218 : memref<1x200xi32, #tpu.memory_space<vmem>> -> memref<200xi32, #tpu.memory_space<vmem>>
    %dma_start3A_220 = arith.constant 0 : i32
    %dma_start3A_221 = arith.constant 0 : i32
    %dma_start3A_222 = tpu.memref_slice %arg5[%dma_start3A_220, %dma_start3A_221] : memref<100000x64xf32, #tpu.memory_space<hbm>> -> memref<100000x64xf32, #tpu.memory_space<hbm>>
    tpu.enqueue_indirect_dma source(%dma_start3A_222 : memref<100000x64xf32, #tpu.memory_space<hbm>>) target(%dma_start3A_216 : memref<200x64xf32, #tpu.memory_space<vmem>>) offsets(%dma_start3A_219 : memref<200xi32, #tpu.memory_space<vmem>>) semaphore(%arg16 : memref<!tpu.dma_semaphore, #tpu.memory_space<semaphore_mem>>)
    %scan3A = arith.constant 0 : i32
    %scan3A_223 = arith.constant 0 : i32
    %scan3A_224 = arith.constant 64 : i32
    %scan3A_225 = arith.addi %scan3A_223, %scan3A_224 : i32
    %scan3A_226 = arith.constant 1 : i32
    scf.for %scan3A_234 = %scan3A_223 to %scan3A_225 step %scan3A_226  : i32 {
      %mul3A_235 = arith.constant 2 : i32
      %mul3A_236 = arith.muli %mul3A_235, %scan3A_234 : i32
      %add3A_237 = arith.constant 1 : i32
      %add3A_238 = arith.addi %mul3A_236, %add3A_237 : i32
      %dma_wait3A_239 = arith.constant 0 : i32
      %dma_wait3A_240 = arith.constant 0 : i32
      %dma_wait3A_241 = arith.constant 0 : i32
      %dma_wait3A_242 = arith.constant 0 : i32
      %dma_wait3A_243 = tpu.memref_slice %arg13[%dma_wait3A_240, %dma_wait3A_241, %dma_wait3A_242] : memref<4x200x64xf32, #tpu.memory_space<vmem>> -> memref<1x200x64xf32, #tpu.memory_space<vmem>>
      %dma_wait3A_244 = tpu.memref_squeeze %dma_wait3A_243 : memref<1x200x64xf32, #tpu.memory_space<vmem>> -> memref<200x64xf32, #tpu.memory_space<vmem>>
      %dma_wait3A_245 = arith.constant 0 : i32
      %dma_wait3A_246 = tpu.memref_slice %arg11[%dma_wait3A_239, %dma_wait3A_245] : memref<4x200xi32, #tpu.memory_space<vmem>> -> memref<1x200xi32, #tpu.memory_space<vmem>>
      %dma_wait3A_247 = tpu.memref_squeeze %dma_wait3A_246 : memref<1x200xi32, #tpu.memory_space<vmem>> -> memref<200xi32, #tpu.memory_space<vmem>>
      %dma_wait3A_248 = arith.constant 0 : i32
      %dma_wait3A_249 = arith.constant 0 : i32
      %dma_wait3A_250 = tpu.memref_slice %arg2[%dma_wait3A_248, %dma_wait3A_249] : memref<100000x64xf32, #tpu.memory_space<hbm>> -> memref<100000x64xf32, #tpu.memory_space<hbm>>
      tpu.wait_indirect_dma semaphore(%arg16 : memref<!tpu.dma_semaphore, #tpu.memory_space<semaphore_mem>>) src(%dma_wait3A_250 : memref<100000x64xf32, #tpu.memory_space<hbm>>) dst(%dma_wait3A_244 : memref<200x64xf32, #tpu.memory_space<vmem>>)
      %dma_wait3A_251 = arith.constant 1 : i32
      %dma_wait3A_252 = arith.constant 1 : i32
      %dma_wait3A_253 = arith.constant 0 : i32
      %dma_wait3A_254 = arith.constant 0 : i32
      %dma_wait3A_255 = tpu.memref_slice %arg13[%dma_wait3A_252, %dma_wait3A_253, %dma_wait3A_254] : memref<4x200x64xf32, #tpu.memory_space<vmem>> -> memref<1x200x64xf32, #tpu.memory_space<vmem>>
      %dma_wait3A_256 = tpu.memref_squeeze %dma_wait3A_255 : memref<1x200x64xf32, #tpu.memory_space<vmem>> -> memref<200x64xf32, #tpu.memory_space<vmem>>
      %dma_wait3A_257 = arith.constant 0 : i32
      %dma_wait3A_258 = tpu.memref_slice %arg11[%dma_wait3A_251, %dma_wait3A_257] : memref<4x200xi32, #tpu.memory_space<vmem>> -> memref<1x200xi32, #tpu.memory_space<vmem>>
      %dma_wait3A_259 = tpu.memref_squeeze %dma_wait3A_258 : memref<1x200xi32, #tpu.memory_space<vmem>> -> memref<200xi32, #tpu.memory_space<vmem>>
      %dma_wait3A_260 = arith.constant 0 : i32
      %dma_wait3A_261 = arith.constant 0 : i32
      %dma_wait3A_262 = tpu.memref_slice %arg3[%dma_wait3A_260, %dma_wait3A_261] : memref<100000x64xf32, #tpu.memory_space<hbm>> -> memref<100000x64xf32, #tpu.memory_space<hbm>>
      tpu.wait_indirect_dma semaphore(%arg16 : memref<!tpu.dma_semaphore, #tpu.memory_space<semaphore_mem>>) src(%dma_wait3A_262 : memref<100000x64xf32, #tpu.memory_space<hbm>>) dst(%dma_wait3A_256 : memref<200x64xf32, #tpu.memory_space<vmem>>)
      %dma_wait3A_263 = arith.constant 2 : i32
      %dma_wait3A_264 = arith.constant 2 : i32
      %dma_wait3A_265 = arith.constant 0 : i32
      %dma_wait3A_266 = arith.constant 0 : i32
      %dma_wait3A_267 = tpu.memref_slice %arg13[%dma_wait3A_264, %dma_wait3A_265, %dma_wait3A_266] : memref<4x200x64xf32, #tpu.memory_space<vmem>> -> memref<1x200x64xf32, #tpu.memory_space<vmem>>
      %dma_wait3A_268 = tpu.memref_squeeze %dma_wait3A_267 : memref<1x200x64xf32, #tpu.memory_space<vmem>> -> memref<200x64xf32, #tpu.memory_space<vmem>>
      %dma_wait3A_269 = arith.constant 0 : i32
      %dma_wait3A_270 = tpu.memref_slice %arg11[%dma_wait3A_263, %dma_wait3A_269] : memref<4x200xi32, #tpu.memory_space<vmem>> -> memref<1x200xi32, #tpu.memory_space<vmem>>
      %dma_wait3A_271 = tpu.memref_squeeze %dma_wait3A_270 : memref<1x200xi32, #tpu.memory_space<vmem>> -> memref<200xi32, #tpu.memory_space<vmem>>
      %dma_wait3A_272 = arith.constant 0 : i32
      %dma_wait3A_273 = arith.constant 0 : i32
      %dma_wait3A_274 = tpu.memref_slice %arg4[%dma_wait3A_272, %dma_wait3A_273] : memref<100000x64xf32, #tpu.memory_space<hbm>> -> memref<100000x64xf32, #tpu.memory_space<hbm>>
      tpu.wait_indirect_dma semaphore(%arg16 : memref<!tpu.dma_semaphore, #tpu.memory_space<semaphore_mem>>) src(%dma_wait3A_274 : memref<100000x64xf32, #tpu.memory_space<hbm>>) dst(%dma_wait3A_268 : memref<200x64xf32, #tpu.memory_space<vmem>>)
      %dma_wait3A_275 = arith.constant 3 : i32
      %dma_wait3A_276 = arith.constant 3 : i32
      %dma_wait3A_277 = arith.constant 0 : i32
      %dma_wait3A_278 = arith.constant 0 : i32
      %dma_wait3A_279 = tpu.memref_slice %arg13[%dma_wait3A_276, %dma_wait3A_277, %dma_wait3A_278] : memref<4x200x64xf32, #tpu.memory_space<vmem>> -> memref<1x200x64xf32, #tpu.memory_space<vmem>>
      %dma_wait3A_280 = tpu.memref_squeeze %dma_wait3A_279 : memref<1x200x64xf32, #tpu.memory_space<vmem>> -> memref<200x64xf32, #tpu.memory_space<vmem>>
      %dma_wait3A_281 = arith.constant 0 : i32
      %dma_wait3A_282 = tpu.memref_slice %arg11[%dma_wait3A_275, %dma_wait3A_281] : memref<4x200xi32, #tpu.memory_space<vmem>> -> memref<1x200xi32, #tpu.memory_space<vmem>>
      %dma_wait3A_283 = tpu.memref_squeeze %dma_wait3A_282 : memref<1x200xi32, #tpu.memory_space<vmem>> -> memref<200xi32, #tpu.memory_space<vmem>>
      %dma_wait3A_284 = arith.constant 0 : i32
      %dma_wait3A_285 = arith.constant 0 : i32
      %dma_wait3A_286 = tpu.memref_slice %arg5[%dma_wait3A_284, %dma_wait3A_285] : memref<100000x64xf32, #tpu.memory_space<hbm>> -> memref<100000x64xf32, #tpu.memory_space<hbm>>
      tpu.wait_indirect_dma semaphore(%arg16 : memref<!tpu.dma_semaphore, #tpu.memory_space<semaphore_mem>>) src(%dma_wait3A_286 : memref<100000x64xf32, #tpu.memory_space<hbm>>) dst(%dma_wait3A_280 : memref<200x64xf32, #tpu.memory_space<vmem>>)
      %mul3A_287 = arith.constant 200 : i32
      %mul3A_288 = arith.muli %mul3A_236, %mul3A_287 : i32
      %add3A_289 = arith.addi %mul3A_2, %mul3A_288 : i32
      %jit3A = arith.constant 8 : i32
      %div3A = arith.divsi %add3A_289, %jit3A : i32
      %sign3A = arith.constant 0 : i32
      %sign3A_290 = arith.cmpi sgt, %add3A_289, %sign3A : i32
      %sign3A_291 = arith.extui %sign3A_290 : i1 to i32
      %sign3A_292 = arith.constant 0 : i32
      %sign3A_293 = arith.cmpi slt, %add3A_289, %sign3A_292 : i32
      %sign3A_294 = arith.extui %sign3A_293 : i1 to i32
      %sign3A_295 = arith.subi %sign3A_291, %sign3A_294 : i32
      %sign3A_296 = arith.constant 0 : i32
      %sign3A_297 = arith.cmpi sgt, %jit3A, %sign3A_296 : i32
      %sign3A_298 = arith.extui %sign3A_297 : i1 to i32
      %sign3A_299 = arith.constant 0 : i32
      %sign3A_300 = arith.cmpi slt, %jit3A, %sign3A_299 : i32
      %sign3A_301 = arith.extui %sign3A_300 : i1 to i32
      %sign3A_302 = arith.subi %sign3A_298, %sign3A_301 : i32
      %ne3A = arith.cmpi ne, %sign3A_295, %sign3A_302 : i32
      %rem3A = arith.remsi %add3A_289, %jit3A : i32
      %ne3A_303 = arith.constant 0 : i32
      %ne3A_304 = arith.cmpi ne, %rem3A, %ne3A_303 : i32
      %and3A = arith.andi %ne3A, %ne3A_304 : i1
      %sub3A = arith.constant 1 : i32
      %sub3A_305 = arith.subi %div3A, %sub3A : i32
      %select_n3A = arith.select %and3A, %sub3A_305, %div3A : i32
      %scan3A_306 = arith.constant 0 : i32
      %scan3A_307 = arith.constant 0 : i32
      %scan3A_308 = arith.constant 25 : i32
      %scan3A_309 = arith.addi %scan3A_307, %scan3A_308 : i32
      %scan3A_310 = arith.constant 1 : i32
      scf.for %scan3A_521 = %scan3A_307 to %scan3A_309 step %scan3A_310  : i32 {
        %mul3A_522 = arith.constant 8 : i32
        %mul3A_523 = arith.muli %mul3A_522, %scan3A_521 : i32
        %add3A_524 = arith.addi %select_n3A, %scan3A_521 : i32
        %dma_start3A_525 = arith.constant 0 : i32
        %dma_start3A_526 = arith.constant 0 : i32
        %dma_start3A_527 = arith.constant 0 : i32
        %dma_start3A_528 = tpu.memref_slice %arg13[%dma_start3A_525, %mul3A_523, %dma_start3A_527] : memref<4x200x64xf32, #tpu.memory_space<vmem>> -> memref<1x8x64xf32, #tpu.memory_space<vmem>>
        %dma_start3A_529 = tpu.memref_squeeze %dma_start3A_528 : memref<1x8x64xf32, #tpu.memory_space<vmem>> -> memref<8x64xf32, #tpu.memory_space<vmem>>
        %dma_start3A_530 = arith.constant 0 : i32
        %dma_start3A_531 = arith.constant 0 : i32
        %dma_start3A_532 = tpu.memref_slice %arg10[%add3A_524, %dma_start3A_526, %dma_start3A_530, %dma_start3A_531] : memref<102400x2x8x128xf32, #tpu.memory_space<hbm>> -> memref<1x1x8x64xf32, #tpu.memory_space<hbm>>
        %dma_start3A_533 = tpu.memref_squeeze %dma_start3A_532 : memref<1x1x8x64xf32, #tpu.memory_space<hbm>> -> memref<8x64xf32, #tpu.memory_space<hbm>>
        %dma_start3A_534 = arith.constant 0 : i32
        %dma_start3A_535 = arith.constant 0 : i32
        %dma_start3A_536 = tpu.memref_slice %arg10[%add3A_524, %dma_start3A_526, %dma_start3A_534, %dma_start3A_535] : memref<102400x2x8x128xf32, #tpu.memory_space<hbm>> -> memref<1x1x8x64xf32, #tpu.memory_space<hbm>>
        %dma_start3A_537 = tpu.memref_squeeze %dma_start3A_536 : memref<1x1x8x64xf32, #tpu.memory_space<hbm>> -> memref<8x64xf32, #tpu.memory_space<hbm>>
        %dma_start3A_538 = arith.constant 0 : i32
        %dma_start3A_539 = tpu.memref_slice %arg13[%dma_start3A_525, %mul3A_523, %dma_start3A_538] : memref<4x200x64xf32, #tpu.memory_space<vmem>> -> memref<1x8x64xf32, #tpu.memory_space<vmem>>
        %dma_start3A_540 = tpu.memref_squeeze %dma_start3A_539 : memref<1x8x64xf32, #tpu.memory_space<vmem>> -> memref<8x64xf32, #tpu.memory_space<vmem>>
        tpu.enqueue_dma source(%dma_start3A_540 : memref<8x64xf32, #tpu.memory_space<vmem>>) target(%dma_start3A_537 : memref<8x64xf32, #tpu.memory_space<hbm>>) target_semaphore(%arg17 : memref<!tpu.dma_semaphore, #tpu.memory_space<semaphore_mem>>)
        %mul3A_541 = arith.constant 8 : i32
        %mul3A_542 = arith.muli %mul3A_541, %scan3A_521 : i32
        %add3A_543 = arith.addi %select_n3A, %scan3A_521 : i32
        %dma_start3A_544 = arith.constant 1 : i32
        %dma_start3A_545 = arith.constant 0 : i32
        %dma_start3A_546 = arith.constant 0 : i32
        %dma_start3A_547 = tpu.memref_slice %arg13[%dma_start3A_544, %mul3A_542, %dma_start3A_546] : memref<4x200x64xf32, #tpu.memory_space<vmem>> -> memref<1x8x64xf32, #tpu.memory_space<vmem>>
        %dma_start3A_548 = tpu.memref_squeeze %dma_start3A_547 : memref<1x8x64xf32, #tpu.memory_space<vmem>> -> memref<8x64xf32, #tpu.memory_space<vmem>>
        %dma_start3A_549 = arith.constant 0 : i32
        %dma_start3A_550 = arith.constant 64 : i32
        %dma_start3A_551 = tpu.memref_slice %arg10[%add3A_543, %dma_start3A_545, %dma_start3A_549, %dma_start3A_550] : memref<102400x2x8x128xf32, #tpu.memory_space<hbm>> -> memref<1x1x8x64xf32, #tpu.memory_space<hbm>>
        %dma_start3A_552 = tpu.memref_squeeze %dma_start3A_551 : memref<1x1x8x64xf32, #tpu.memory_space<hbm>> -> memref<8x64xf32, #tpu.memory_space<hbm>>
        %dma_start3A_553 = arith.constant 0 : i32
        %dma_start3A_554 = arith.constant 64 : i32
        %dma_start3A_555 = tpu.memref_slice %arg10[%add3A_543, %dma_start3A_545, %dma_start3A_553, %dma_start3A_554] : memref<102400x2x8x128xf32, #tpu.memory_space<hbm>> -> memref<1x1x8x64xf32, #tpu.memory_space<hbm>>
        %dma_start3A_556 = tpu.memref_squeeze %dma_start3A_555 : memref<1x1x8x64xf32, #tpu.memory_space<hbm>> -> memref<8x64xf32, #tpu.memory_space<hbm>>
        %dma_start3A_557 = arith.constant 0 : i32
        %dma_start3A_558 = tpu.memref_slice %arg13[%dma_start3A_544, %mul3A_542, %dma_start3A_557] : memref<4x200x64xf32, #tpu.memory_space<vmem>> -> memref<1x8x64xf32, #tpu.memory_space<vmem>>
        %dma_start3A_559 = tpu.memref_squeeze %dma_start3A_558 : memref<1x8x64xf32, #tpu.memory_space<vmem>> -> memref<8x64xf32, #tpu.memory_space<vmem>>
        tpu.enqueue_dma source(%dma_start3A_559 : memref<8x64xf32, #tpu.memory_space<vmem>>) target(%dma_start3A_556 : memref<8x64xf32, #tpu.memory_space<hbm>>) target_semaphore(%arg17 : memref<!tpu.dma_semaphore, #tpu.memory_space<semaphore_mem>>)
        %mul3A_560 = arith.constant 8 : i32
        %mul3A_561 = arith.muli %mul3A_560, %scan3A_521 : i32
        %add3A_562 = arith.addi %select_n3A, %scan3A_521 : i32
        %dma_start3A_563 = arith.constant 2 : i32
        %dma_start3A_564 = arith.constant 1 : i32
        %dma_start3A_565 = arith.constant 0 : i32
        %dma_start3A_566 = tpu.memref_slice %arg13[%dma_start3A_563, %mul3A_561, %dma_start3A_565] : memref<4x200x64xf32, #tpu.memory_space<vmem>> -> memref<1x8x64xf32, #tpu.memory_space<vmem>>
        %dma_start3A_567 = tpu.memref_squeeze %dma_start3A_566 : memref<1x8x64xf32, #tpu.memory_space<vmem>> -> memref<8x64xf32, #tpu.memory_space<vmem>>
        %dma_start3A_568 = arith.constant 0 : i32
        %dma_start3A_569 = arith.constant 0 : i32
        %dma_start3A_570 = tpu.memref_slice %arg10[%add3A_562, %dma_start3A_564, %dma_start3A_568, %dma_start3A_569] : memref<102400x2x8x128xf32, #tpu.memory_space<hbm>> -> memref<1x1x8x64xf32, #tpu.memory_space<hbm>>
        %dma_start3A_571 = tpu.memref_squeeze %dma_start3A_570 : memref<1x1x8x64xf32, #tpu.memory_space<hbm>> -> memref<8x64xf32, #tpu.memory_space<hbm>>
        %dma_start3A_572 = arith.constant 0 : i32
        %dma_start3A_573 = arith.constant 0 : i32
        %dma_start3A_574 = tpu.memref_slice %arg10[%add3A_562, %dma_start3A_564, %dma_start3A_572, %dma_start3A_573] : memref<102400x2x8x128xf32, #tpu.memory_space<hbm>> -> memref<1x1x8x64xf32, #tpu.memory_space<hbm>>
        %dma_start3A_575 = tpu.memref_squeeze %dma_start3A_574 : memref<1x1x8x64xf32, #tpu.memory_space<hbm>> -> memref<8x64xf32, #tpu.memory_space<hbm>>
        %dma_start3A_576 = arith.constant 0 : i32
        %dma_start3A_577 = tpu.memref_slice %arg13[%dma_start3A_563, %mul3A_561, %dma_start3A_576] : memref<4x200x64xf32, #tpu.memory_space<vmem>> -> memref<1x8x64xf32, #tpu.memory_space<vmem>>
        %dma_start3A_578 = tpu.memref_squeeze %dma_start3A_577 : memref<1x8x64xf32, #tpu.memory_space<vmem>> -> memref<8x64xf32, #tpu.memory_space<vmem>>
        tpu.enqueue_dma source(%dma_start3A_578 : memref<8x64xf32, #tpu.memory_space<vmem>>) target(%dma_start3A_575 : memref<8x64xf32, #tpu.memory_space<hbm>>) target_semaphore(%arg17 : memref<!tpu.dma_semaphore, #tpu.memory_space<semaphore_mem>>)
        %mul3A_579 = arith.constant 8 : i32
        %mul3A_580 = arith.muli %mul3A_579, %scan3A_521 : i32
        %add3A_581 = arith.addi %select_n3A, %scan3A_521 : i32
        %dma_start3A_582 = arith.constant 3 : i32
        %dma_start3A_583 = arith.constant 1 : i32
        %dma_start3A_584 = arith.constant 0 : i32
        %dma_start3A_585 = tpu.memref_slice %arg13[%dma_start3A_582, %mul3A_580, %dma_start3A_584] : memref<4x200x64xf32, #tpu.memory_space<vmem>> -> memref<1x8x64xf32, #tpu.memory_space<vmem>>
        %dma_start3A_586 = tpu.memref_squeeze %dma_start3A_585 : memref<1x8x64xf32, #tpu.memory_space<vmem>> -> memref<8x64xf32, #tpu.memory_space<vmem>>
        %dma_start3A_587 = arith.constant 0 : i32
        %dma_start3A_588 = arith.constant 64 : i32
        %dma_start3A_589 = tpu.memref_slice %arg10[%add3A_581, %dma_start3A_583, %dma_start3A_587, %dma_start3A_588] : memref<102400x2x8x128xf32, #tpu.memory_space<hbm>> -> memref<1x1x8x64xf32, #tpu.memory_space<hbm>>
        %dma_start3A_590 = tpu.memref_squeeze %dma_start3A_589 : memref<1x1x8x64xf32, #tpu.memory_space<hbm>> -> memref<8x64xf32, #tpu.memory_space<hbm>>
        %dma_start3A_591 = arith.constant 0 : i32
        %dma_start3A_592 = arith.constant 64 : i32
        %dma_start3A_593 = tpu.memref_slice %arg10[%add3A_581, %dma_start3A_583, %dma_start3A_591, %dma_start3A_592] : memref<102400x2x8x128xf32, #tpu.memory_space<hbm>> -> memref<1x1x8x64xf32, #tpu.memory_space<hbm>>
        %dma_start3A_594 = tpu.memref_squeeze %dma_start3A_593 : memref<1x1x8x64xf32, #tpu.memory_space<hbm>> -> memref<8x64xf32, #tpu.memory_space<hbm>>
        %dma_start3A_595 = arith.constant 0 : i32
        %dma_start3A_596 = tpu.memref_slice %arg13[%dma_start3A_582, %mul3A_580, %dma_start3A_595] : memref<4x200x64xf32, #tpu.memory_space<vmem>> -> memref<1x8x64xf32, #tpu.memory_space<vmem>>
        %dma_start3A_597 = tpu.memref_squeeze %dma_start3A_596 : memref<1x8x64xf32, #tpu.memory_space<vmem>> -> memref<8x64xf32, #tpu.memory_space<vmem>>
        tpu.enqueue_dma source(%dma_start3A_597 : memref<8x64xf32, #tpu.memory_space<vmem>>) target(%dma_start3A_594 : memref<8x64xf32, #tpu.memory_space<hbm>>) target_semaphore(%arg17 : memref<!tpu.dma_semaphore, #tpu.memory_space<semaphore_mem>>)
      }
      %scan3A_311 = arith.constant 25 : i32
      %gt3A = arith.constant 0 : i32
      %gt3A_312 = arith.cmpi sgt, %scan3A_234, %gt3A : i32
      %convert_element_type3A = arith.extui %gt3A_312 : i1 to i32
      %cond3A = arith.constant 0 : i32
      %cond3A_313 = arith.cmpi ne, %convert_element_type3A, %cond3A : i32
      scf.if %cond3A_313 {
        %scan3A_521 = arith.constant 0 : i32
        %scan3A_522 = arith.constant 0 : i32
        %scan3A_523 = arith.constant 25 : i32
        %scan3A_524 = arith.addi %scan3A_522, %scan3A_523 : i32
        %scan3A_525 = arith.constant 1 : i32
        scf.for %scan3A_527 = %scan3A_522 to %scan3A_524 step %scan3A_525  : i32 {
          %jit3A_528 = arith.constant 8 : i32
          %div3A_529 = arith.divsi %mul3A_2, %jit3A_528 : i32
          %sign3A_530 = arith.constant 0 : i32
          %sign3A_531 = arith.cmpi sgt, %mul3A_2, %sign3A_530 : i32
          %sign3A_532 = arith.extui %sign3A_531 : i1 to i32
          %sign3A_533 = arith.constant 0 : i32
          %sign3A_534 = arith.cmpi slt, %mul3A_2, %sign3A_533 : i32
          %sign3A_535 = arith.extui %sign3A_534 : i1 to i32
          %sign3A_536 = arith.subi %sign3A_532, %sign3A_535 : i32
          %sign3A_537 = arith.constant 0 : i32
          %sign3A_538 = arith.cmpi sgt, %jit3A_528, %sign3A_537 : i32
          %sign3A_539 = arith.extui %sign3A_538 : i1 to i32
          %sign3A_540 = arith.constant 0 : i32
          %sign3A_541 = arith.cmpi slt, %jit3A_528, %sign3A_540 : i32
          %sign3A_542 = arith.extui %sign3A_541 : i1 to i32
          %sign3A_543 = arith.subi %sign3A_539, %sign3A_542 : i32
          %ne3A_544 = arith.cmpi ne, %sign3A_536, %sign3A_543 : i32
          %rem3A_545 = arith.remsi %mul3A_2, %jit3A_528 : i32
          %ne3A_546 = arith.constant 0 : i32
          %ne3A_547 = arith.cmpi ne, %rem3A_545, %ne3A_546 : i32
          %and3A_548 = arith.andi %ne3A_544, %ne3A_547 : i1
          %sub3A_549 = arith.constant 1 : i32
          %sub3A_550 = arith.subi %div3A_529, %sub3A_549 : i32
          %select_n3A_551 = arith.select %and3A_548, %sub3A_550, %div3A_529 : i32
          %dma_wait3A_552 = arith.constant 0 : i32
          %dma_wait3A_553 = arith.constant 0 : i32
          %dma_wait3A_554 = arith.constant 0 : i32
          %dma_wait3A_555 = arith.constant 0 : i32
          %dma_wait3A_556 = tpu.memref_slice %arg14[%dma_wait3A_552, %dma_wait3A_554, %dma_wait3A_555] : memref<4x200x64xf32, #tpu.memory_space<vmem>> -> memref<1x8x64xf32, #tpu.memory_space<vmem>>
          %dma_wait3A_557 = tpu.memref_squeeze %dma_wait3A_556 : memref<1x8x64xf32, #tpu.memory_space<vmem>> -> memref<8x64xf32, #tpu.memory_space<vmem>>
          %dma_wait3A_558 = arith.constant 0 : i32
          %dma_wait3A_559 = arith.constant 0 : i32
          %dma_wait3A_560 = tpu.memref_slice %arg10[%select_n3A_551, %dma_wait3A_553, %dma_wait3A_558, %dma_wait3A_559] : memref<102400x2x8x128xf32, #tpu.memory_space<hbm>> -> memref<1x1x8x64xf32, #tpu.memory_space<hbm>>
          %dma_wait3A_561 = tpu.memref_squeeze %dma_wait3A_560 : memref<1x1x8x64xf32, #tpu.memory_space<hbm>> -> memref<8x64xf32, #tpu.memory_space<hbm>>
          %dma_wait3A_562 = arith.constant 0 : i32
          %dma_wait3A_563 = arith.constant 0 : i32
          %dma_wait3A_564 = tpu.memref_slice %arg10[%select_n3A_551, %dma_wait3A_553, %dma_wait3A_562, %dma_wait3A_563] : memref<102400x2x8x128xf32, #tpu.memory_space<hbm>> -> memref<1x1x8x64xf32, #tpu.memory_space<hbm>>
          %dma_wait3A_565 = tpu.memref_squeeze %dma_wait3A_564 : memref<1x1x8x64xf32, #tpu.memory_space<hbm>> -> memref<8x64xf32, #tpu.memory_space<hbm>>
          %dma_wait3A_566 = arith.constant 0 : i32
          %dma_wait3A_567 = arith.constant 0 : i32
          %dma_wait3A_568 = tpu.memref_slice %arg14[%dma_wait3A_552, %dma_wait3A_566, %dma_wait3A_567] : memref<4x200x64xf32, #tpu.memory_space<vmem>> -> memref<1x8x64xf32, #tpu.memory_space<vmem>>
          %dma_wait3A_569 = tpu.memref_squeeze %dma_wait3A_568 : memref<1x8x64xf32, #tpu.memory_space<vmem>> -> memref<8x64xf32, #tpu.memory_space<vmem>>
          tpu.wait_dma2 semaphore(%arg18 : memref<!tpu.dma_semaphore, #tpu.memory_space<semaphore_mem>>) src(%dma_wait3A_569 : memref<8x64xf32, #tpu.memory_space<vmem>>) dst(%dma_wait3A_565 : memref<8x64xf32, #tpu.memory_space<hbm>>)
          %jit3A_570 = arith.constant 8 : i32
          %div3A_571 = arith.divsi %mul3A_2, %jit3A_570 : i32
          %sign3A_572 = arith.constant 0 : i32
          %sign3A_573 = arith.cmpi sgt, %mul3A_2, %sign3A_572 : i32
          %sign3A_574 = arith.extui %sign3A_573 : i1 to i32
          %sign3A_575 = arith.constant 0 : i32
          %sign3A_576 = arith.cmpi slt, %mul3A_2, %sign3A_575 : i32
          %sign3A_577 = arith.extui %sign3A_576 : i1 to i32
          %sign3A_578 = arith.subi %sign3A_574, %sign3A_577 : i32
          %sign3A_579 = arith.constant 0 : i32
          %sign3A_580 = arith.cmpi sgt, %jit3A_570, %sign3A_579 : i32
          %sign3A_581 = arith.extui %sign3A_580 : i1 to i32
          %sign3A_582 = arith.constant 0 : i32
          %sign3A_583 = arith.cmpi slt, %jit3A_570, %sign3A_582 : i32
          %sign3A_584 = arith.extui %sign3A_583 : i1 to i32
          %sign3A_585 = arith.subi %sign3A_581, %sign3A_584 : i32
          %ne3A_586 = arith.cmpi ne, %sign3A_578, %sign3A_585 : i32
          %rem3A_587 = arith.remsi %mul3A_2, %jit3A_570 : i32
          %ne3A_588 = arith.constant 0 : i32
          %ne3A_589 = arith.cmpi ne, %rem3A_587, %ne3A_588 : i32
          %and3A_590 = arith.andi %ne3A_586, %ne3A_589 : i1
          %sub3A_591 = arith.constant 1 : i32
          %sub3A_592 = arith.subi %div3A_571, %sub3A_591 : i32
          %select_n3A_593 = arith.select %and3A_590, %sub3A_592, %div3A_571 : i32
          %dma_wait3A_594 = arith.constant 1 : i32
          %dma_wait3A_595 = arith.constant 0 : i32
          %dma_wait3A_596 = arith.constant 0 : i32
          %dma_wait3A_597 = arith.constant 0 : i32
          %dma_wait3A_598 = tpu.memref_slice %arg14[%dma_wait3A_594, %dma_wait3A_596, %dma_wait3A_597] : memref<4x200x64xf32, #tpu.memory_space<vmem>> -> memref<1x8x64xf32, #tpu.memory_space<vmem>>
          %dma_wait3A_599 = tpu.memref_squeeze %dma_wait3A_598 : memref<1x8x64xf32, #tpu.memory_space<vmem>> -> memref<8x64xf32, #tpu.memory_space<vmem>>
          %dma_wait3A_600 = arith.constant 0 : i32
          %dma_wait3A_601 = arith.constant 64 : i32
          %dma_wait3A_602 = tpu.memref_slice %arg10[%select_n3A_593, %dma_wait3A_595, %dma_wait3A_600, %dma_wait3A_601] : memref<102400x2x8x128xf32, #tpu.memory_space<hbm>> -> memref<1x1x8x64xf32, #tpu.memory_space<hbm>>
          %dma_wait3A_603 = tpu.memref_squeeze %dma_wait3A_602 : memref<1x1x8x64xf32, #tpu.memory_space<hbm>> -> memref<8x64xf32, #tpu.memory_space<hbm>>
          %dma_wait3A_604 = arith.constant 0 : i32
          %dma_wait3A_605 = arith.constant 64 : i32
          %dma_wait3A_606 = tpu.memref_slice %arg10[%select_n3A_593, %dma_wait3A_595, %dma_wait3A_604, %dma_wait3A_605] : memref<102400x2x8x128xf32, #tpu.memory_space<hbm>> -> memref<1x1x8x64xf32, #tpu.memory_space<hbm>>
          %dma_wait3A_607 = tpu.memref_squeeze %dma_wait3A_606 : memref<1x1x8x64xf32, #tpu.memory_space<hbm>> -> memref<8x64xf32, #tpu.memory_space<hbm>>
          %dma_wait3A_608 = arith.constant 0 : i32
          %dma_wait3A_609 = arith.constant 0 : i32
          %dma_wait3A_610 = tpu.memref_slice %arg14[%dma_wait3A_594, %dma_wait3A_608, %dma_wait3A_609] : memref<4x200x64xf32, #tpu.memory_space<vmem>> -> memref<1x8x64xf32, #tpu.memory_space<vmem>>
          %dma_wait3A_611 = tpu.memref_squeeze %dma_wait3A_610 : memref<1x8x64xf32, #tpu.memory_space<vmem>> -> memref<8x64xf32, #tpu.memory_space<vmem>>
          tpu.wait_dma2 semaphore(%arg18 : memref<!tpu.dma_semaphore, #tpu.memory_space<semaphore_mem>>) src(%dma_wait3A_611 : memref<8x64xf32, #tpu.memory_space<vmem>>) dst(%dma_wait3A_607 : memref<8x64xf32, #tpu.memory_space<hbm>>)
          %jit3A_612 = arith.constant 8 : i32
          %div3A_613 = arith.divsi %mul3A_2, %jit3A_612 : i32
          %sign3A_614 = arith.constant 0 : i32
          %sign3A_615 = arith.cmpi sgt, %mul3A_2, %sign3A_614 : i32
          %sign3A_616 = arith.extui %sign3A_615 : i1 to i32
          %sign3A_617 = arith.constant 0 : i32
          %sign3A_618 = arith.cmpi slt, %mul3A_2, %sign3A_617 : i32
          %sign3A_619 = arith.extui %sign3A_618 : i1 to i32
          %sign3A_620 = arith.subi %sign3A_616, %sign3A_619 : i32
          %sign3A_621 = arith.constant 0 : i32
          %sign3A_622 = arith.cmpi sgt, %jit3A_612, %sign3A_621 : i32
          %sign3A_623 = arith.extui %sign3A_622 : i1 to i32
          %sign3A_624 = arith.constant 0 : i32
          %sign3A_625 = arith.cmpi slt, %jit3A_612, %sign3A_624 : i32
          %sign3A_626 = arith.extui %sign3A_625 : i1 to i32
          %sign3A_627 = arith.subi %sign3A_623, %sign3A_626 : i32
          %ne3A_628 = arith.cmpi ne, %sign3A_620, %sign3A_627 : i32
          %rem3A_629 = arith.remsi %mul3A_2, %jit3A_612 : i32
          %ne3A_630 = arith.constant 0 : i32
          %ne3A_631 = arith.cmpi ne, %rem3A_629, %ne3A_630 : i32
          %and3A_632 = arith.andi %ne3A_628, %ne3A_631 : i1
          %sub3A_633 = arith.constant 1 : i32
          %sub3A_634 = arith.subi %div3A_613, %sub3A_633 : i32
          %select_n3A_635 = arith.select %and3A_632, %sub3A_634, %div3A_613 : i32
          %dma_wait3A_636 = arith.constant 2 : i32
          %dma_wait3A_637 = arith.constant 1 : i32
          %dma_wait3A_638 = arith.constant 0 : i32
          %dma_wait3A_639 = arith.constant 0 : i32
          %dma_wait3A_640 = tpu.memref_slice %arg14[%dma_wait3A_636, %dma_wait3A_638, %dma_wait3A_639] : memref<4x200x64xf32, #tpu.memory_space<vmem>> -> memref<1x8x64xf32, #tpu.memory_space<vmem>>
          %dma_wait3A_641 = tpu.memref_squeeze %dma_wait3A_640 : memref<1x8x64xf32, #tpu.memory_space<vmem>> -> memref<8x64xf32, #tpu.memory_space<vmem>>
          %dma_wait3A_642 = arith.constant 0 : i32
          %dma_wait3A_643 = arith.constant 0 : i32
          %dma_wait3A_644 = tpu.memref_slice %arg10[%select_n3A_635, %dma_wait3A_637, %dma_wait3A_642, %dma_wait3A_643] : memref<102400x2x8x128xf32, #tpu.memory_space<hbm>> -> memref<1x1x8x64xf32, #tpu.memory_space<hbm>>
          %dma_wait3A_645 = tpu.memref_squeeze %dma_wait3A_644 : memref<1x1x8x64xf32, #tpu.memory_space<hbm>> -> memref<8x64xf32, #tpu.memory_space<hbm>>
          %dma_wait3A_646 = arith.constant 0 : i32
          %dma_wait3A_647 = arith.constant 0 : i32
          %dma_wait3A_648 = tpu.memref_slice %arg10[%select_n3A_635, %dma_wait3A_637, %dma_wait3A_646, %dma_wait3A_647] : memref<102400x2x8x128xf32, #tpu.memory_space<hbm>> -> memref<1x1x8x64xf32, #tpu.memory_space<hbm>>
          %dma_wait3A_649 = tpu.memref_squeeze %dma_wait3A_648 : memref<1x1x8x64xf32, #tpu.memory_space<hbm>> -> memref<8x64xf32, #tpu.memory_space<hbm>>
          %dma_wait3A_650 = arith.constant 0 : i32
          %dma_wait3A_651 = arith.constant 0 : i32
          %dma_wait3A_652 = tpu.memref_slice %arg14[%dma_wait3A_636, %dma_wait3A_650, %dma_wait3A_651] : memref<4x200x64xf32, #tpu.memory_space<vmem>> -> memref<1x8x64xf32, #tpu.memory_space<vmem>>
          %dma_wait3A_653 = tpu.memref_squeeze %dma_wait3A_652 : memref<1x8x64xf32, #tpu.memory_space<vmem>> -> memref<8x64xf32, #tpu.memory_space<vmem>>
          tpu.wait_dma2 semaphore(%arg18 : memref<!tpu.dma_semaphore, #tpu.memory_space<semaphore_mem>>) src(%dma_wait3A_653 : memref<8x64xf32, #tpu.memory_space<vmem>>) dst(%dma_wait3A_649 : memref<8x64xf32, #tpu.memory_space<hbm>>)
          %jit3A_654 = arith.constant 8 : i32
          %div3A_655 = arith.divsi %mul3A_2, %jit3A_654 : i32
          %sign3A_656 = arith.constant 0 : i32
          %sign3A_657 = arith.cmpi sgt, %mul3A_2, %sign3A_656 : i32
          %sign3A_658 = arith.extui %sign3A_657 : i1 to i32
          %sign3A_659 = arith.constant 0 : i32
          %sign3A_660 = arith.cmpi slt, %mul3A_2, %sign3A_659 : i32
          %sign3A_661 = arith.extui %sign3A_660 : i1 to i32
          %sign3A_662 = arith.subi %sign3A_658, %sign3A_661 : i32
          %sign3A_663 = arith.constant 0 : i32
          %sign3A_664 = arith.cmpi sgt, %jit3A_654, %sign3A_663 : i32
          %sign3A_665 = arith.extui %sign3A_664 : i1 to i32
          %sign3A_666 = arith.constant 0 : i32
          %sign3A_667 = arith.cmpi slt, %jit3A_654, %sign3A_666 : i32
          %sign3A_668 = arith.extui %sign3A_667 : i1 to i32
          %sign3A_669 = arith.subi %sign3A_665, %sign3A_668 : i32
          %ne3A_670 = arith.cmpi ne, %sign3A_662, %sign3A_669 : i32
          %rem3A_671 = arith.remsi %mul3A_2, %jit3A_654 : i32
          %ne3A_672 = arith.constant 0 : i32
          %ne3A_673 = arith.cmpi ne, %rem3A_671, %ne3A_672 : i32
          %and3A_674 = arith.andi %ne3A_670, %ne3A_673 : i1
          %sub3A_675 = arith.constant 1 : i32
          %sub3A_676 = arith.subi %div3A_655, %sub3A_675 : i32
          %select_n3A_677 = arith.select %and3A_674, %sub3A_676, %div3A_655 : i32
          %dma_wait3A_678 = arith.constant 3 : i32
          %dma_wait3A_679 = arith.constant 1 : i32
          %dma_wait3A_680 = arith.constant 0 : i32
          %dma_wait3A_681 = arith.constant 0 : i32
          %dma_wait3A_682 = tpu.memref_slice %arg14[%dma_wait3A_678, %dma_wait3A_680, %dma_wait3A_681] : memref<4x200x64xf32, #tpu.memory_space<vmem>> -> memref<1x8x64xf32, #tpu.memory_space<vmem>>
          %dma_wait3A_683 = tpu.memref_squeeze %dma_wait3A_682 : memref<1x8x64xf32, #tpu.memory_space<vmem>> -> memref<8x64xf32, #tpu.memory_space<vmem>>
          %dma_wait3A_684 = arith.constant 0 : i32
          %dma_wait3A_685 = arith.constant 64 : i32
          %dma_wait3A_686 = tpu.memref_slice %arg10[%select_n3A_677, %dma_wait3A_679, %dma_wait3A_684, %dma_wait3A_685] : memref<102400x2x8x128xf32, #tpu.memory_space<hbm>> -> memref<1x1x8x64xf32, #tpu.memory_space<hbm>>
          %dma_wait3A_687 = tpu.memref_squeeze %dma_wait3A_686 : memref<1x1x8x64xf32, #tpu.memory_space<hbm>> -> memref<8x64xf32, #tpu.memory_space<hbm>>
          %dma_wait3A_688 = arith.constant 0 : i32
          %dma_wait3A_689 = arith.constant 64 : i32
          %dma_wait3A_690 = tpu.memref_slice %arg10[%select_n3A_677, %dma_wait3A_679, %dma_wait3A_688, %dma_wait3A_689] : memref<102400x2x8x128xf32, #tpu.memory_space<hbm>> -> memref<1x1x8x64xf32, #tpu.memory_space<hbm>>
          %dma_wait3A_691 = tpu.memref_squeeze %dma_wait3A_690 : memref<1x1x8x64xf32, #tpu.memory_space<hbm>> -> memref<8x64xf32, #tpu.memory_space<hbm>>
          %dma_wait3A_692 = arith.constant 0 : i32
          %dma_wait3A_693 = arith.constant 0 : i32
          %dma_wait3A_694 = tpu.memref_slice %arg14[%dma_wait3A_678, %dma_wait3A_692, %dma_wait3A_693] : memref<4x200x64xf32, #tpu.memory_space<vmem>> -> memref<1x8x64xf32, #tpu.memory_space<vmem>>
          %dma_wait3A_695 = tpu.memref_squeeze %dma_wait3A_694 : memref<1x8x64xf32, #tpu.memory_space<vmem>> -> memref<8x64xf32, #tpu.memory_space<vmem>>
          tpu.wait_dma2 semaphore(%arg18 : memref<!tpu.dma_semaphore, #tpu.memory_space<semaphore_mem>>) src(%dma_wait3A_695 : memref<8x64xf32, #tpu.memory_space<vmem>>) dst(%dma_wait3A_691 : memref<8x64xf32, #tpu.memory_space<hbm>>)
        }
        %scan3A_526 = arith.constant 25 : i32
      } else {
      }
      %dma_wait3A_314 = arith.constant 0 : i32
      %dma_wait3A_315 = arith.constant 0 : i32
      %dma_wait3A_316 = tpu.memref_slice %arg11[%dma_wait3A_314, %dma_wait3A_315] : memref<4x200xi32, #tpu.memory_space<vmem>> -> memref<1x200xi32, #tpu.memory_space<vmem>>
      %dma_wait3A_317 = tpu.memref_squeeze %dma_wait3A_316 : memref<1x200xi32, #tpu.memory_space<vmem>> -> memref<200xi32, #tpu.memory_space<vmem>>
      %dma_wait3A_318 = arith.constant 0 : i32
      %dma_wait3A_319 = tpu.memref_slice %arg6[%mul3A_4, %dma_wait3A_318] : memref<4096x200xi32, #tpu.memory_space<hbm>> -> memref<1x200xi32, #tpu.memory_space<hbm>>
      %dma_wait3A_320 = tpu.memref_squeeze %dma_wait3A_319 : memref<1x200xi32, #tpu.memory_space<hbm>> -> memref<200xi32, #tpu.memory_space<hbm>>
      %dma_wait3A_321 = arith.constant 0 : i32
      %dma_wait3A_322 = tpu.memref_slice %arg11[%dma_wait3A_314, %dma_wait3A_321] : memref<4x200xi32, #tpu.memory_space<vmem>> -> memref<1x200xi32, #tpu.memory_space<vmem>>
      %dma_wait3A_323 = tpu.memref_squeeze %dma_wait3A_322 : memref<1x200xi32, #tpu.memory_space<vmem>> -> memref<200xi32, #tpu.memory_space<vmem>>
      %dma_wait3A_324 = arith.constant 0 : i32
      %dma_wait3A_325 = tpu.memref_slice %arg6[%mul3A_4, %dma_wait3A_324] : memref<4096x200xi32, #tpu.memory_space<hbm>> -> memref<1x200xi32, #tpu.memory_space<hbm>>
      %dma_wait3A_326 = tpu.memref_squeeze %dma_wait3A_325 : memref<1x200xi32, #tpu.memory_space<hbm>> -> memref<200xi32, #tpu.memory_space<hbm>>
      tpu.wait_dma2 semaphore(%arg15 : memref<!tpu.dma_semaphore, #tpu.memory_space<semaphore_mem>>) src(%dma_wait3A_326 : memref<200xi32, #tpu.memory_space<hbm>>) dst(%dma_wait3A_323 : memref<200xi32, #tpu.memory_space<vmem>>)
      %dma_wait3A_327 = arith.constant 1 : i32
      %dma_wait3A_328 = arith.constant 0 : i32
      %dma_wait3A_329 = tpu.memref_slice %arg11[%dma_wait3A_327, %dma_wait3A_328] : memref<4x200xi32, #tpu.memory_space<vmem>> -> memref<1x200xi32, #tpu.memory_space<vmem>>
      %dma_wait3A_330 = tpu.memref_squeeze %dma_wait3A_329 : memref<1x200xi32, #tpu.memory_space<vmem>> -> memref<200xi32, #tpu.memory_space<vmem>>
      %dma_wait3A_331 = arith.constant 0 : i32
      %dma_wait3A_332 = tpu.memref_slice %arg7[%mul3A_4, %dma_wait3A_331] : memref<4096x200xi32, #tpu.memory_space<hbm>> -> memref<1x200xi32, #tpu.memory_space<hbm>>
      %dma_wait3A_333 = tpu.memref_squeeze %dma_wait3A_332 : memref<1x200xi32, #tpu.memory_space<hbm>> -> memref<200xi32, #tpu.memory_space<hbm>>
      %dma_wait3A_334 = arith.constant 0 : i32
      %dma_wait3A_335 = tpu.memref_slice %arg11[%dma_wait3A_327, %dma_wait3A_334] : memref<4x200xi32, #tpu.memory_space<vmem>> -> memref<1x200xi32, #tpu.memory_space<vmem>>
      %dma_wait3A_336 = tpu.memref_squeeze %dma_wait3A_335 : memref<1x200xi32, #tpu.memory_space<vmem>> -> memref<200xi32, #tpu.memory_space<vmem>>
      %dma_wait3A_337 = arith.constant 0 : i32
      %dma_wait3A_338 = tpu.memref_slice %arg7[%mul3A_4, %dma_wait3A_337] : memref<4096x200xi32, #tpu.memory_space<hbm>> -> memref<1x200xi32, #tpu.memory_space<hbm>>
      %dma_wait3A_339 = tpu.memref_squeeze %dma_wait3A_338 : memref<1x200xi32, #tpu.memory_space<hbm>> -> memref<200xi32, #tpu.memory_space<hbm>>
      tpu.wait_dma2 semaphore(%arg15 : memref<!tpu.dma_semaphore, #tpu.memory_space<semaphore_mem>>) src(%dma_wait3A_339 : memref<200xi32, #tpu.memory_space<hbm>>) dst(%dma_wait3A_336 : memref<200xi32, #tpu.memory_space<vmem>>)
      %dma_wait3A_340 = arith.constant 2 : i32
      %dma_wait3A_341 = arith.constant 0 : i32
      %dma_wait3A_342 = tpu.memref_slice %arg11[%dma_wait3A_340, %dma_wait3A_341] : memref<4x200xi32, #tpu.memory_space<vmem>> -> memref<1x200xi32, #tpu.memory_space<vmem>>
      %dma_wait3A_343 = tpu.memref_squeeze %dma_wait3A_342 : memref<1x200xi32, #tpu.memory_space<vmem>> -> memref<200xi32, #tpu.memory_space<vmem>>
      %dma_wait3A_344 = arith.constant 0 : i32
      %dma_wait3A_345 = tpu.memref_slice %arg8[%mul3A_4, %dma_wait3A_344] : memref<4096x200xi32, #tpu.memory_space<hbm>> -> memref<1x200xi32, #tpu.memory_space<hbm>>
      %dma_wait3A_346 = tpu.memref_squeeze %dma_wait3A_345 : memref<1x200xi32, #tpu.memory_space<hbm>> -> memref<200xi32, #tpu.memory_space<hbm>>
      %dma_wait3A_347 = arith.constant 0 : i32
      %dma_wait3A_348 = tpu.memref_slice %arg11[%dma_wait3A_340, %dma_wait3A_347] : memref<4x200xi32, #tpu.memory_space<vmem>> -> memref<1x200xi32, #tpu.memory_space<vmem>>
      %dma_wait3A_349 = tpu.memref_squeeze %dma_wait3A_348 : memref<1x200xi32, #tpu.memory_space<vmem>> -> memref<200xi32, #tpu.memory_space<vmem>>
      %dma_wait3A_350 = arith.constant 0 : i32
      %dma_wait3A_351 = tpu.memref_slice %arg8[%mul3A_4, %dma_wait3A_350] : memref<4096x200xi32, #tpu.memory_space<hbm>> -> memref<1x200xi32, #tpu.memory_space<hbm>>
      %dma_wait3A_352 = tpu.memref_squeeze %dma_wait3A_351 : memref<1x200xi32, #tpu.memory_space<hbm>> -> memref<200xi32, #tpu.memory_space<hbm>>
      tpu.wait_dma2 semaphore(%arg15 : memref<!tpu.dma_semaphore, #tpu.memory_space<semaphore_mem>>) src(%dma_wait3A_352 : memref<200xi32, #tpu.memory_space<hbm>>) dst(%dma_wait3A_349 : memref<200xi32, #tpu.memory_space<vmem>>)
      %dma_wait3A_353 = arith.constant 3 : i32
      %dma_wait3A_354 = arith.constant 0 : i32
      %dma_wait3A_355 = tpu.memref_slice %arg11[%dma_wait3A_353, %dma_wait3A_354] : memref<4x200xi32, #tpu.memory_space<vmem>> -> memref<1x200xi32, #tpu.memory_space<vmem>>
      %dma_wait3A_356 = tpu.memref_squeeze %dma_wait3A_355 : memref<1x200xi32, #tpu.memory_space<vmem>> -> memref<200xi32, #tpu.memory_space<vmem>>
      %dma_wait3A_357 = arith.constant 0 : i32
      %dma_wait3A_358 = tpu.memref_slice %arg9[%mul3A_4, %dma_wait3A_357] : memref<4096x200xi32, #tpu.memory_space<hbm>> -> memref<1x200xi32, #tpu.memory_space<hbm>>
      %dma_wait3A_359 = tpu.memref_squeeze %dma_wait3A_358 : memref<1x200xi32, #tpu.memory_space<hbm>> -> memref<200xi32, #tpu.memory_space<hbm>>
      %dma_wait3A_360 = arith.constant 0 : i32
      %dma_wait3A_361 = tpu.memref_slice %arg11[%dma_wait3A_353, %dma_wait3A_360] : memref<4x200xi32, #tpu.memory_space<vmem>> -> memref<1x200xi32, #tpu.memory_space<vmem>>
      %dma_wait3A_362 = tpu.memref_squeeze %dma_wait3A_361 : memref<1x200xi32, #tpu.memory_space<vmem>> -> memref<200xi32, #tpu.memory_space<vmem>>
      %dma_wait3A_363 = arith.constant 0 : i32
      %dma_wait3A_364 = tpu.memref_slice %arg9[%mul3A_4, %dma_wait3A_363] : memref<4096x200xi32, #tpu.memory_space<hbm>> -> memref<1x200xi32, #tpu.memory_space<hbm>>
      %dma_wait3A_365 = tpu.memref_squeeze %dma_wait3A_364 : memref<1x200xi32, #tpu.memory_space<hbm>> -> memref<200xi32, #tpu.memory_space<hbm>>
      tpu.wait_dma2 semaphore(%arg15 : memref<!tpu.dma_semaphore, #tpu.memory_space<semaphore_mem>>) src(%dma_wait3A_365 : memref<200xi32, #tpu.memory_space<hbm>>) dst(%dma_wait3A_362 : memref<200xi32, #tpu.memory_space<vmem>>)
      %dma_start3A_366 = arith.constant 0 : i32
      %dma_start3A_367 = arith.constant 0 : i32
      %dma_start3A_368 = arith.constant 0 : i32
      %dma_start3A_369 = arith.constant 0 : i32
      %dma_start3A_370 = tpu.memref_slice %arg14[%dma_start3A_367, %dma_start3A_368, %dma_start3A_369] : memref<4x200x64xf32, #tpu.memory_space<vmem>> -> memref<1x200x64xf32, #tpu.memory_space<vmem>>
      %dma_start3A_371 = tpu.memref_squeeze %dma_start3A_370 : memref<1x200x64xf32, #tpu.memory_space<vmem>> -> memref<200x64xf32, #tpu.memory_space<vmem>>
      %dma_start3A_372 = arith.constant 0 : i32
      %dma_start3A_373 = tpu.memref_slice %arg12[%dma_start3A_366, %dma_start3A_372] : memref<4x200xi32, #tpu.memory_space<vmem>> -> memref<1x200xi32, #tpu.memory_space<vmem>>
      %dma_start3A_374 = tpu.memref_squeeze %dma_start3A_373 : memref<1x200xi32, #tpu.memory_space<vmem>> -> memref<200xi32, #tpu.memory_space<vmem>>
      %dma_start3A_375 = arith.constant 0 : i32
      %dma_start3A_376 = arith.constant 0 : i32
      %dma_start3A_377 = tpu.memref_slice %arg2[%dma_start3A_375, %dma_start3A_376] : memref<100000x64xf32, #tpu.memory_space<hbm>> -> memref<100000x64xf32, #tpu.memory_space<hbm>>
      tpu.enqueue_indirect_dma source(%dma_start3A_377 : memref<100000x64xf32, #tpu.memory_space<hbm>>) target(%dma_start3A_371 : memref<200x64xf32, #tpu.memory_space<vmem>>) offsets(%dma_start3A_374 : memref<200xi32, #tpu.memory_space<vmem>>) semaphore(%arg16 : memref<!tpu.dma_semaphore, #tpu.memory_space<semaphore_mem>>)
      %dma_start3A_378 = arith.constant 1 : i32
      %dma_start3A_379 = arith.constant 1 : i32
      %dma_start3A_380 = arith.constant 0 : i32
      %dma_start3A_381 = arith.constant 0 : i32
      %dma_start3A_382 = tpu.memref_slice %arg14[%dma_start3A_379, %dma_start3A_380, %dma_start3A_381] : memref<4x200x64xf32, #tpu.memory_space<vmem>> -> memref<1x200x64xf32, #tpu.memory_space<vmem>>
      %dma_start3A_383 = tpu.memref_squeeze %dma_start3A_382 : memref<1x200x64xf32, #tpu.memory_space<vmem>> -> memref<200x64xf32, #tpu.memory_space<vmem>>
      %dma_start3A_384 = arith.constant 0 : i32
      %dma_start3A_385 = tpu.memref_slice %arg12[%dma_start3A_378, %dma_start3A_384] : memref<4x200xi32, #tpu.memory_space<vmem>> -> memref<1x200xi32, #tpu.memory_space<vmem>>
      %dma_start3A_386 = tpu.memref_squeeze %dma_start3A_385 : memref<1x200xi32, #tpu.memory_space<vmem>> -> memref<200xi32, #tpu.memory_space<vmem>>
      %dma_start3A_387 = arith.constant 0 : i32
      %dma_start3A_388 = arith.constant 0 : i32
      %dma_start3A_389 = tpu.memref_slice %arg3[%dma_start3A_387, %dma_start3A_388] : memref<100000x64xf32, #tpu.memory_space<hbm>> -> memref<100000x64xf32, #tpu.memory_space<hbm>>
      tpu.enqueue_indirect_dma source(%dma_start3A_389 : memref<100000x64xf32, #tpu.memory_space<hbm>>) target(%dma_start3A_383 : memref<200x64xf32, #tpu.memory_space<vmem>>) offsets(%dma_start3A_386 : memref<200xi32, #tpu.memory_space<vmem>>) semaphore(%arg16 : memref<!tpu.dma_semaphore, #tpu.memory_space<semaphore_mem>>)
      %dma_start3A_390 = arith.constant 2 : i32
      %dma_start3A_391 = arith.constant 2 : i32
      %dma_start3A_392 = arith.constant 0 : i32
      %dma_start3A_393 = arith.constant 0 : i32
      %dma_start3A_394 = tpu.memref_slice %arg14[%dma_start3A_391, %dma_start3A_392, %dma_start3A_393] : memref<4x200x64xf32, #tpu.memory_space<vmem>> -> memref<1x200x64xf32, #tpu.memory_space<vmem>>
      %dma_start3A_395 = tpu.memref_squeeze %dma_start3A_394 : memref<1x200x64xf32, #tpu.memory_space<vmem>> -> memref<200x64xf32, #tpu.memory_space<vmem>>
      %dma_start3A_396 = arith.constant 0 : i32
      %dma_start3A_397 = tpu.memref_slice %arg12[%dma_start3A_390, %dma_start3A_396] : memref<4x200xi32, #tpu.memory_space<vmem>> -> memref<1x200xi32, #tpu.memory_space<vmem>>
      %dma_start3A_398 = tpu.memref_squeeze %dma_start3A_397 : memref<1x200xi32, #tpu.memory_space<vmem>> -> memref<200xi32, #tpu.memory_space<vmem>>
      %dma_start3A_399 = arith.constant 0 : i32
      %dma_start3A_400 = arith.constant 0 : i32
      %dma_start3A_401 = tpu.memref_slice %arg4[%dma_start3A_399, %dma_start3A_400] : memref<100000x64xf32, #tpu.memory_space<hbm>> -> memref<100000x64xf32, #tpu.memory_space<hbm>>
      tpu.enqueue_indirect_dma source(%dma_start3A_401 : memref<100000x64xf32, #tpu.memory_space<hbm>>) target(%dma_start3A_395 : memref<200x64xf32, #tpu.memory_space<vmem>>) offsets(%dma_start3A_398 : memref<200xi32, #tpu.memory_space<vmem>>) semaphore(%arg16 : memref<!tpu.dma_semaphore, #tpu.memory_space<semaphore_mem>>)
      %dma_start3A_402 = arith.constant 3 : i32
      %dma_start3A_403 = arith.constant 3 : i32
      %dma_start3A_404 = arith.constant 0 : i32
      %dma_start3A_405 = arith.constant 0 : i32
      %dma_start3A_406 = tpu.memref_slice %arg14[%dma_start3A_403, %dma_start3A_404, %dma_start3A_405] : memref<4x200x64xf32, #tpu.memory_space<vmem>> -> memref<1x200x64xf32, #tpu.memory_space<vmem>>
      %dma_start3A_407 = tpu.memref_squeeze %dma_start3A_406 : memref<1x200x64xf32, #tpu.memory_space<vmem>> -> memref<200x64xf32, #tpu.memory_space<vmem>>
      %dma_start3A_408 = arith.constant 0 : i32
      %dma_start3A_409 = tpu.memref_slice %arg12[%dma_start3A_402, %dma_start3A_408] : memref<4x200xi32, #tpu.memory_space<vmem>> -> memref<1x200xi32, #tpu.memory_space<vmem>>
      %dma_start3A_410 = tpu.memref_squeeze %dma_start3A_409 : memref<1x200xi32, #tpu.memory_space<vmem>> -> memref<200xi32, #tpu.memory_space<vmem>>
      %dma_start3A_411 = arith.constant 0 : i32
      %dma_start3A_412 = arith.constant 0 : i32
      %dma_start3A_413 = tpu.memref_slice %arg5[%dma_start3A_411, %dma_start3A_412] : memref<100000x64xf32, #tpu.memory_space<hbm>> -> memref<100000x64xf32, #tpu.memory_space<hbm>>
      tpu.enqueue_indirect_dma source(%dma_start3A_413 : memref<100000x64xf32, #tpu.memory_space<hbm>>) target(%dma_start3A_407 : memref<200x64xf32, #tpu.memory_space<vmem>>) offsets(%dma_start3A_410 : memref<200xi32, #tpu.memory_space<vmem>>) semaphore(%arg16 : memref<!tpu.dma_semaphore, #tpu.memory_space<semaphore_mem>>)
      %add3A_414 = arith.constant 2 : i32
      %add3A_415 = arith.addi %mul3A_236, %add3A_414 : i32
      %lt3A = arith.constant 128 : i32
      %lt3A_416 = arith.cmpi slt, %add3A_415, %lt3A : i32
      %convert_element_type3A_417 = arith.extui %lt3A_416 : i1 to i32
      %cond3A_418 = arith.constant 0 : i32
      %cond3A_419 = arith.cmpi ne, %convert_element_type3A_417, %cond3A_418 : i32
      scf.if %cond3A_419 {
        %add3A_521 = arith.constant 2 : i32
        %add3A_522 = arith.addi %mul3A_236, %add3A_521 : i32
        %add3A_523 = arith.addi %mul3A_4, %add3A_522 : i32
        %dma_start3A_524 = arith.constant 0 : i32
        %dma_start3A_525 = arith.constant 0 : i32
        %dma_start3A_526 = tpu.memref_slice %arg11[%dma_start3A_524, %dma_start3A_525] : memref<4x200xi32, #tpu.memory_space<vmem>> -> memref<1x200xi32, #tpu.memory_space<vmem>>
        %dma_start3A_527 = tpu.memref_squeeze %dma_start3A_526 : memref<1x200xi32, #tpu.memory_space<vmem>> -> memref<200xi32, #tpu.memory_space<vmem>>
        %dma_start3A_528 = arith.constant 0 : i32
        %dma_start3A_529 = tpu.memref_slice %arg6[%add3A_523, %dma_start3A_528] : memref<4096x200xi32, #tpu.memory_space<hbm>> -> memref<1x200xi32, #tpu.memory_space<hbm>>
        %dma_start3A_530 = tpu.memref_squeeze %dma_start3A_529 : memref<1x200xi32, #tpu.memory_space<hbm>> -> memref<200xi32, #tpu.memory_space<hbm>>
        %dma_start3A_531 = arith.constant 0 : i32
        %dma_start3A_532 = tpu.memref_slice %arg11[%dma_start3A_524, %dma_start3A_531] : memref<4x200xi32, #tpu.memory_space<vmem>> -> memref<1x200xi32, #tpu.memory_space<vmem>>
        %dma_start3A_533 = tpu.memref_squeeze %dma_start3A_532 : memref<1x200xi32, #tpu.memory_space<vmem>> -> memref<200xi32, #tpu.memory_space<vmem>>
        %dma_start3A_534 = arith.constant 0 : i32
        %dma_start3A_535 = tpu.memref_slice %arg6[%add3A_523, %dma_start3A_534] : memref<4096x200xi32, #tpu.memory_space<hbm>> -> memref<1x200xi32, #tpu.memory_space<hbm>>
        %dma_start3A_536 = tpu.memref_squeeze %dma_start3A_535 : memref<1x200xi32, #tpu.memory_space<hbm>> -> memref<200xi32, #tpu.memory_space<hbm>>
        tpu.enqueue_dma source(%dma_start3A_536 : memref<200xi32, #tpu.memory_space<hbm>>) target(%dma_start3A_533 : memref<200xi32, #tpu.memory_space<vmem>>) target_semaphore(%arg15 : memref<!tpu.dma_semaphore, #tpu.memory_space<semaphore_mem>>)
        %add3A_537 = arith.addi %mul3A_4, %add3A_522 : i32
        %dma_start3A_538 = arith.constant 1 : i32
        %dma_start3A_539 = arith.constant 0 : i32
        %dma_start3A_540 = tpu.memref_slice %arg11[%dma_start3A_538, %dma_start3A_539] : memref<4x200xi32, #tpu.memory_space<vmem>> -> memref<1x200xi32, #tpu.memory_space<vmem>>
        %dma_start3A_541 = tpu.memref_squeeze %dma_start3A_540 : memref<1x200xi32, #tpu.memory_space<vmem>> -> memref<200xi32, #tpu.memory_space<vmem>>
        %dma_start3A_542 = arith.constant 0 : i32
        %dma_start3A_543 = tpu.memref_slice %arg7[%add3A_537, %dma_start3A_542] : memref<4096x200xi32, #tpu.memory_space<hbm>> -> memref<1x200xi32, #tpu.memory_space<hbm>>
        %dma_start3A_544 = tpu.memref_squeeze %dma_start3A_543 : memref<1x200xi32, #tpu.memory_space<hbm>> -> memref<200xi32, #tpu.memory_space<hbm>>
        %dma_start3A_545 = arith.constant 0 : i32
        %dma_start3A_546 = tpu.memref_slice %arg11[%dma_start3A_538, %dma_start3A_545] : memref<4x200xi32, #tpu.memory_space<vmem>> -> memref<1x200xi32, #tpu.memory_space<vmem>>
        %dma_start3A_547 = tpu.memref_squeeze %dma_start3A_546 : memref<1x200xi32, #tpu.memory_space<vmem>> -> memref<200xi32, #tpu.memory_space<vmem>>
        %dma_start3A_548 = arith.constant 0 : i32
        %dma_start3A_549 = tpu.memref_slice %arg7[%add3A_537, %dma_start3A_548] : memref<4096x200xi32, #tpu.memory_space<hbm>> -> memref<1x200xi32, #tpu.memory_space<hbm>>
        %dma_start3A_550 = tpu.memref_squeeze %dma_start3A_549 : memref<1x200xi32, #tpu.memory_space<hbm>> -> memref<200xi32, #tpu.memory_space<hbm>>
        tpu.enqueue_dma source(%dma_start3A_550 : memref<200xi32, #tpu.memory_space<hbm>>) target(%dma_start3A_547 : memref<200xi32, #tpu.memory_space<vmem>>) target_semaphore(%arg15 : memref<!tpu.dma_semaphore, #tpu.memory_space<semaphore_mem>>)
        %add3A_551 = arith.addi %mul3A_4, %add3A_522 : i32
        %dma_start3A_552 = arith.constant 2 : i32
        %dma_start3A_553 = arith.constant 0 : i32
        %dma_start3A_554 = tpu.memref_slice %arg11[%dma_start3A_552, %dma_start3A_553] : memref<4x200xi32, #tpu.memory_space<vmem>> -> memref<1x200xi32, #tpu.memory_space<vmem>>
        %dma_start3A_555 = tpu.memref_squeeze %dma_start3A_554 : memref<1x200xi32, #tpu.memory_space<vmem>> -> memref<200xi32, #tpu.memory_space<vmem>>
        %dma_start3A_556 = arith.constant 0 : i32
        %dma_start3A_557 = tpu.memref_slice %arg8[%add3A_551, %dma_start3A_556] : memref<4096x200xi32, #tpu.memory_space<hbm>> -> memref<1x200xi32, #tpu.memory_space<hbm>>
        %dma_start3A_558 = tpu.memref_squeeze %dma_start3A_557 : memref<1x200xi32, #tpu.memory_space<hbm>> -> memref<200xi32, #tpu.memory_space<hbm>>
        %dma_start3A_559 = arith.constant 0 : i32
        %dma_start3A_560 = tpu.memref_slice %arg11[%dma_start3A_552, %dma_start3A_559] : memref<4x200xi32, #tpu.memory_space<vmem>> -> memref<1x200xi32, #tpu.memory_space<vmem>>
        %dma_start3A_561 = tpu.memref_squeeze %dma_start3A_560 : memref<1x200xi32, #tpu.memory_space<vmem>> -> memref<200xi32, #tpu.memory_space<vmem>>
        %dma_start3A_562 = arith.constant 0 : i32
        %dma_start3A_563 = tpu.memref_slice %arg8[%add3A_551, %dma_start3A_562] : memref<4096x200xi32, #tpu.memory_space<hbm>> -> memref<1x200xi32, #tpu.memory_space<hbm>>
        %dma_start3A_564 = tpu.memref_squeeze %dma_start3A_563 : memref<1x200xi32, #tpu.memory_space<hbm>> -> memref<200xi32, #tpu.memory_space<hbm>>
        tpu.enqueue_dma source(%dma_start3A_564 : memref<200xi32, #tpu.memory_space<hbm>>) target(%dma_start3A_561 : memref<200xi32, #tpu.memory_space<vmem>>) target_semaphore(%arg15 : memref<!tpu.dma_semaphore, #tpu.memory_space<semaphore_mem>>)
        %add3A_565 = arith.addi %mul3A_4, %add3A_522 : i32
        %dma_start3A_566 = arith.constant 3 : i32
        %dma_start3A_567 = arith.constant 0 : i32
        %dma_start3A_568 = tpu.memref_slice %arg11[%dma_start3A_566, %dma_start3A_567] : memref<4x200xi32, #tpu.memory_space<vmem>> -> memref<1x200xi32, #tpu.memory_space<vmem>>
        %dma_start3A_569 = tpu.memref_squeeze %dma_start3A_568 : memref<1x200xi32, #tpu.memory_space<vmem>> -> memref<200xi32, #tpu.memory_space<vmem>>
        %dma_start3A_570 = arith.constant 0 : i32
        %dma_start3A_571 = tpu.memref_slice %arg9[%add3A_565, %dma_start3A_570] : memref<4096x200xi32, #tpu.memory_space<hbm>> -> memref<1x200xi32, #tpu.memory_space<hbm>>
        %dma_start3A_572 = tpu.memref_squeeze %dma_start3A_571 : memref<1x200xi32, #tpu.memory_space<hbm>> -> memref<200xi32, #tpu.memory_space<hbm>>
        %dma_start3A_573 = arith.constant 0 : i32
        %dma_start3A_574 = tpu.memref_slice %arg11[%dma_start3A_566, %dma_start3A_573] : memref<4x200xi32, #tpu.memory_space<vmem>> -> memref<1x200xi32, #tpu.memory_space<vmem>>
        %dma_start3A_575 = tpu.memref_squeeze %dma_start3A_574 : memref<1x200xi32, #tpu.memory_space<vmem>> -> memref<200xi32, #tpu.memory_space<vmem>>
        %dma_start3A_576 = arith.constant 0 : i32
        %dma_start3A_577 = tpu.memref_slice %arg9[%add3A_565, %dma_start3A_576] : memref<4096x200xi32, #tpu.memory_space<hbm>> -> memref<1x200xi32, #tpu.memory_space<hbm>>
        %dma_start3A_578 = tpu.memref_squeeze %dma_start3A_577 : memref<1x200xi32, #tpu.memory_space<hbm>> -> memref<200xi32, #tpu.memory_space<hbm>>
        tpu.enqueue_dma source(%dma_start3A_578 : memref<200xi32, #tpu.memory_space<hbm>>) target(%dma_start3A_575 : memref<200xi32, #tpu.memory_space<vmem>>) target_semaphore(%arg15 : memref<!tpu.dma_semaphore, #tpu.memory_space<semaphore_mem>>)
      } else {
      }
      %dma_wait3A_420 = arith.constant 0 : i32
      %dma_wait3A_421 = arith.constant 0 : i32
      %dma_wait3A_422 = arith.constant 0 : i32
      %dma_wait3A_423 = arith.constant 0 : i32
      %dma_wait3A_424 = tpu.memref_slice %arg14[%dma_wait3A_421, %dma_wait3A_422, %dma_wait3A_423] : memref<4x200x64xf32, #tpu.memory_space<vmem>> -> memref<1x200x64xf32, #tpu.memory_space<vmem>>
      %dma_wait3A_425 = tpu.memref_squeeze %dma_wait3A_424 : memref<1x200x64xf32, #tpu.memory_space<vmem>> -> memref<200x64xf32, #tpu.memory_space<vmem>>
      %dma_wait3A_426 = arith.constant 0 : i32
      %dma_wait3A_427 = tpu.memref_slice %arg12[%dma_wait3A_420, %dma_wait3A_426] : memref<4x200xi32, #tpu.memory_space<vmem>> -> memref<1x200xi32, #tpu.memory_space<vmem>>
      %dma_wait3A_428 = tpu.memref_squeeze %dma_wait3A_427 : memref<1x200xi32, #tpu.memory_space<vmem>> -> memref<200xi32, #tpu.memory_space<vmem>>
      %dma_wait3A_429 = arith.constant 0 : i32
      %dma_wait3A_430 = arith.constant 0 : i32
      %dma_wait3A_431 = tpu.memref_slice %arg2[%dma_wait3A_429, %dma_wait3A_430] : memref<100000x64xf32, #tpu.memory_space<hbm>> -> memref<100000x64xf32, #tpu.memory_space<hbm>>
      tpu.wait_indirect_dma semaphore(%arg16 : memref<!tpu.dma_semaphore, #tpu.memory_space<semaphore_mem>>) src(%dma_wait3A_431 : memref<100000x64xf32, #tpu.memory_space<hbm>>) dst(%dma_wait3A_425 : memref<200x64xf32, #tpu.memory_space<vmem>>)
      %dma_wait3A_432 = arith.constant 1 : i32
      %dma_wait3A_433 = arith.constant 1 : i32
      %dma_wait3A_434 = arith.constant 0 : i32
      %dma_wait3A_435 = arith.constant 0 : i32
      %dma_wait3A_436 = tpu.memref_slice %arg14[%dma_wait3A_433, %dma_wait3A_434, %dma_wait3A_435] : memref<4x200x64xf32, #tpu.memory_space<vmem>> -> memref<1x200x64xf32, #tpu.memory_space<vmem>>
      %dma_wait3A_437 = tpu.memref_squeeze %dma_wait3A_436 : memref<1x200x64xf32, #tpu.memory_space<vmem>> -> memref<200x64xf32, #tpu.memory_space<vmem>>
      %dma_wait3A_438 = arith.constant 0 : i32
      %dma_wait3A_439 = tpu.memref_slice %arg12[%dma_wait3A_432, %dma_wait3A_438] : memref<4x200xi32, #tpu.memory_space<vmem>> -> memref<1x200xi32, #tpu.memory_space<vmem>>
      %dma_wait3A_440 = tpu.memref_squeeze %dma_wait3A_439 : memref<1x200xi32, #tpu.memory_space<vmem>> -> memref<200xi32, #tpu.memory_space<vmem>>
      %dma_wait3A_441 = arith.constant 0 : i32
      %dma_wait3A_442 = arith.constant 0 : i32
      %dma_wait3A_443 = tpu.memref_slice %arg3[%dma_wait3A_441, %dma_wait3A_442] : memref<100000x64xf32, #tpu.memory_space<hbm>> -> memref<100000x64xf32, #tpu.memory_space<hbm>>
      tpu.wait_indirect_dma semaphore(%arg16 : memref<!tpu.dma_semaphore, #tpu.memory_space<semaphore_mem>>) src(%dma_wait3A_443 : memref<100000x64xf32, #tpu.memory_space<hbm>>) dst(%dma_wait3A_437 : memref<200x64xf32, #tpu.memory_space<vmem>>)
      %dma_wait3A_444 = arith.constant 2 : i32
      %dma_wait3A_445 = arith.constant 2 : i32
      %dma_wait3A_446 = arith.constant 0 : i32
      %dma_wait3A_447 = arith.constant 0 : i32
      %dma_wait3A_448 = tpu.memref_slice %arg14[%dma_wait3A_445, %dma_wait3A_446, %dma_wait3A_447] : memref<4x200x64xf32, #tpu.memory_space<vmem>> -> memref<1x200x64xf32, #tpu.memory_space<vmem>>
      %dma_wait3A_449 = tpu.memref_squeeze %dma_wait3A_448 : memref<1x200x64xf32, #tpu.memory_space<vmem>> -> memref<200x64xf32, #tpu.memory_space<vmem>>
      %dma_wait3A_450 = arith.constant 0 : i32
      %dma_wait3A_451 = tpu.memref_slice %arg12[%dma_wait3A_444, %dma_wait3A_450] : memref<4x200xi32, #tpu.memory_space<vmem>> -> memref<1x200xi32, #tpu.memory_space<vmem>>
      %dma_wait3A_452 = tpu.memref_squeeze %dma_wait3A_451 : memref<1x200xi32, #tpu.memory_space<vmem>> -> memref<200xi32, #tpu.memory_space<vmem>>
      %dma_wait3A_453 = arith.constant 0 : i32
      %dma_wait3A_454 = arith.constant 0 : i32
      %dma_wait3A_455 = tpu.memref_slice %arg4[%dma_wait3A_453, %dma_wait3A_454] : memref<100000x64xf32, #tpu.memory_space<hbm>> -> memref<100000x64xf32, #tpu.memory_space<hbm>>
      tpu.wait_indirect_dma semaphore(%arg16 : memref<!tpu.dma_semaphore, #tpu.memory_space<semaphore_mem>>) src(%dma_wait3A_455 : memref<100000x64xf32, #tpu.memory_space<hbm>>) dst(%dma_wait3A_449 : memref<200x64xf32, #tpu.memory_space<vmem>>)
      %dma_wait3A_456 = arith.constant 3 : i32
      %dma_wait3A_457 = arith.constant 3 : i32
      %dma_wait3A_458 = arith.constant 0 : i32
      %dma_wait3A_459 = arith.constant 0 : i32
      %dma_wait3A_460 = tpu.memref_slice %arg14[%dma_wait3A_457, %dma_wait3A_458, %dma_wait3A_459] : memref<4x200x64xf32, #tpu.memory_space<vmem>> -> memref<1x200x64xf32, #tpu.memory_space<vmem>>
      %dma_wait3A_461 = tpu.memref_squeeze %dma_wait3A_460 : memref<1x200x64xf32, #tpu.memory_space<vmem>> -> memref<200x64xf32, #tpu.memory_space<vmem>>
      %dma_wait3A_462 = arith.constant 0 : i32
      %dma_wait3A_463 = tpu.memref_slice %arg12[%dma_wait3A_456, %dma_wait3A_462] : memref<4x200xi32, #tpu.memory_space<vmem>> -> memref<1x200xi32, #tpu.memory_space<vmem>>
      %dma_wait3A_464 = tpu.memref_squeeze %dma_wait3A_463 : memref<1x200xi32, #tpu.memory_space<vmem>> -> memref<200xi32, #tpu.memory_space<vmem>>
      %dma_wait3A_465 = arith.constant 0 : i32
      %dma_wait3A_466 = arith.constant 0 : i32
      %dma_wait3A_467 = tpu.memref_slice %arg5[%dma_wait3A_465, %dma_wait3A_466] : memref<100000x64xf32, #tpu.memory_space<hbm>> -> memref<100000x64xf32, #tpu.memory_space<hbm>>
      tpu.wait_indirect_dma semaphore(%arg16 : memref<!tpu.dma_semaphore, #tpu.memory_space<semaphore_mem>>) src(%dma_wait3A_467 : memref<100000x64xf32, #tpu.memory_space<hbm>>) dst(%dma_wait3A_461 : memref<200x64xf32, #tpu.memory_space<vmem>>)
      %mul3A_468 = arith.constant 200 : i32
      %mul3A_469 = arith.muli %add3A_238, %mul3A_468 : i32
      %add3A_470 = arith.addi %mul3A_2, %mul3A_469 : i32
      %jit3A_471 = arith.constant 8 : i32
      %div3A_472 = arith.divsi %add3A_470, %jit3A_471 : i32
      %sign3A_473 = arith.constant 0 : i32
      %sign3A_474 = arith.cmpi sgt, %add3A_470, %sign3A_473 : i32
      %sign3A_475 = arith.extui %sign3A_474 : i1 to i32
      %sign3A_476 = arith.constant 0 : i32
      %sign3A_477 = arith.cmpi slt, %add3A_470, %sign3A_476 : i32
      %sign3A_478 = arith.extui %sign3A_477 : i1 to i32
      %sign3A_479 = arith.subi %sign3A_475, %sign3A_478 : i32
      %sign3A_480 = arith.constant 0 : i32
      %sign3A_481 = arith.cmpi sgt, %jit3A_471, %sign3A_480 : i32
      %sign3A_482 = arith.extui %sign3A_481 : i1 to i32
      %sign3A_483 = arith.constant 0 : i32
      %sign3A_484 = arith.cmpi slt, %jit3A_471, %sign3A_483 : i32
      %sign3A_485 = arith.extui %sign3A_484 : i1 to i32
      %sign3A_486 = arith.subi %sign3A_482, %sign3A_485 : i32
      %ne3A_487 = arith.cmpi ne, %sign3A_479, %sign3A_486 : i32
      %rem3A_488 = arith.remsi %add3A_470, %jit3A_471 : i32
      %ne3A_489 = arith.constant 0 : i32
      %ne3A_490 = arith.cmpi ne, %rem3A_488, %ne3A_489 : i32
      %and3A_491 = arith.andi %ne3A_487, %ne3A_490 : i1
      %sub3A_492 = arith.constant 1 : i32
      %sub3A_493 = arith.subi %div3A_472, %sub3A_492 : i32
      %select_n3A_494 = arith.select %and3A_491, %sub3A_493, %div3A_472 : i32
      %scan3A_495 = arith.constant 0 : i32
      %scan3A_496 = arith.constant 0 : i32
      %scan3A_497 = arith.constant 25 : i32
      %scan3A_498 = arith.addi %scan3A_496, %scan3A_497 : i32
      %scan3A_499 = arith.constant 1 : i32
      scf.for %scan3A_521 = %scan3A_496 to %scan3A_498 step %scan3A_499  : i32 {
        %mul3A_522 = arith.constant 8 : i32
        %mul3A_523 = arith.muli %mul3A_522, %scan3A_521 : i32
        %add3A_524 = arith.addi %select_n3A_494, %scan3A_521 : i32
        %dma_start3A_525 = arith.constant 0 : i32
        %dma_start3A_526 = arith.constant 0 : i32
        %dma_start3A_527 = arith.constant 0 : i32
        %dma_start3A_528 = tpu.memref_slice %arg14[%dma_start3A_525, %mul3A_523, %dma_start3A_527] : memref<4x200x64xf32, #tpu.memory_space<vmem>> -> memref<1x8x64xf32, #tpu.memory_space<vmem>>
        %dma_start3A_529 = tpu.memref_squeeze %dma_start3A_528 : memref<1x8x64xf32, #tpu.memory_space<vmem>> -> memref<8x64xf32, #tpu.memory_space<vmem>>
        %dma_start3A_530 = arith.constant 0 : i32
        %dma_start3A_531 = arith.constant 0 : i32
        %dma_start3A_532 = tpu.memref_slice %arg10[%add3A_524, %dma_start3A_526, %dma_start3A_530, %dma_start3A_531] : memref<102400x2x8x128xf32, #tpu.memory_space<hbm>> -> memref<1x1x8x64xf32, #tpu.memory_space<hbm>>
        %dma_start3A_533 = tpu.memref_squeeze %dma_start3A_532 : memref<1x1x8x64xf32, #tpu.memory_space<hbm>> -> memref<8x64xf32, #tpu.memory_space<hbm>>
        %dma_start3A_534 = arith.constant 0 : i32
        %dma_start3A_535 = arith.constant 0 : i32
        %dma_start3A_536 = tpu.memref_slice %arg10[%add3A_524, %dma_start3A_526, %dma_start3A_534, %dma_start3A_535] : memref<102400x2x8x128xf32, #tpu.memory_space<hbm>> -> memref<1x1x8x64xf32, #tpu.memory_space<hbm>>
        %dma_start3A_537 = tpu.memref_squeeze %dma_start3A_536 : memref<1x1x8x64xf32, #tpu.memory_space<hbm>> -> memref<8x64xf32, #tpu.memory_space<hbm>>
        %dma_start3A_538 = arith.constant 0 : i32
        %dma_start3A_539 = tpu.memref_slice %arg14[%dma_start3A_525, %mul3A_523, %dma_start3A_538] : memref<4x200x64xf32, #tpu.memory_space<vmem>> -> memref<1x8x64xf32, #tpu.memory_space<vmem>>
        %dma_start3A_540 = tpu.memref_squeeze %dma_start3A_539 : memref<1x8x64xf32, #tpu.memory_space<vmem>> -> memref<8x64xf32, #tpu.memory_space<vmem>>
        tpu.enqueue_dma source(%dma_start3A_540 : memref<8x64xf32, #tpu.memory_space<vmem>>) target(%dma_start3A_537 : memref<8x64xf32, #tpu.memory_space<hbm>>) target_semaphore(%arg18 : memref<!tpu.dma_semaphore, #tpu.memory_space<semaphore_mem>>)
        %mul3A_541 = arith.constant 8 : i32
        %mul3A_542 = arith.muli %mul3A_541, %scan3A_521 : i32
        %add3A_543 = arith.addi %select_n3A_494, %scan3A_521 : i32
        %dma_start3A_544 = arith.constant 1 : i32
        %dma_start3A_545 = arith.constant 0 : i32
        %dma_start3A_546 = arith.constant 0 : i32
        %dma_start3A_547 = tpu.memref_slice %arg14[%dma_start3A_544, %mul3A_542, %dma_start3A_546] : memref<4x200x64xf32, #tpu.memory_space<vmem>> -> memref<1x8x64xf32, #tpu.memory_space<vmem>>
        %dma_start3A_548 = tpu.memref_squeeze %dma_start3A_547 : memref<1x8x64xf32, #tpu.memory_space<vmem>> -> memref<8x64xf32, #tpu.memory_space<vmem>>
        %dma_start3A_549 = arith.constant 0 : i32
        %dma_start3A_550 = arith.constant 64 : i32
        %dma_start3A_551 = tpu.memref_slice %arg10[%add3A_543, %dma_start3A_545, %dma_start3A_549, %dma_start3A_550] : memref<102400x2x8x128xf32, #tpu.memory_space<hbm>> -> memref<1x1x8x64xf32, #tpu.memory_space<hbm>>
        %dma_start3A_552 = tpu.memref_squeeze %dma_start3A_551 : memref<1x1x8x64xf32, #tpu.memory_space<hbm>> -> memref<8x64xf32, #tpu.memory_space<hbm>>
        %dma_start3A_553 = arith.constant 0 : i32
        %dma_start3A_554 = arith.constant 64 : i32
        %dma_start3A_555 = tpu.memref_slice %arg10[%add3A_543, %dma_start3A_545, %dma_start3A_553, %dma_start3A_554] : memref<102400x2x8x128xf32, #tpu.memory_space<hbm>> -> memref<1x1x8x64xf32, #tpu.memory_space<hbm>>
        %dma_start3A_556 = tpu.memref_squeeze %dma_start3A_555 : memref<1x1x8x64xf32, #tpu.memory_space<hbm>> -> memref<8x64xf32, #tpu.memory_space<hbm>>
        %dma_start3A_557 = arith.constant 0 : i32
        %dma_start3A_558 = tpu.memref_slice %arg14[%dma_start3A_544, %mul3A_542, %dma_start3A_557] : memref<4x200x64xf32, #tpu.memory_space<vmem>> -> memref<1x8x64xf32, #tpu.memory_space<vmem>>
        %dma_start3A_559 = tpu.memref_squeeze %dma_start3A_558 : memref<1x8x64xf32, #tpu.memory_space<vmem>> -> memref<8x64xf32, #tpu.memory_space<vmem>>
        tpu.enqueue_dma source(%dma_start3A_559 : memref<8x64xf32, #tpu.memory_space<vmem>>) target(%dma_start3A_556 : memref<8x64xf32, #tpu.memory_space<hbm>>) target_semaphore(%arg18 : memref<!tpu.dma_semaphore, #tpu.memory_space<semaphore_mem>>)
        %mul3A_560 = arith.constant 8 : i32
        %mul3A_561 = arith.muli %mul3A_560, %scan3A_521 : i32
        %add3A_562 = arith.addi %select_n3A_494, %scan3A_521 : i32
        %dma_start3A_563 = arith.constant 2 : i32
        %dma_start3A_564 = arith.constant 1 : i32
        %dma_start3A_565 = arith.constant 0 : i32
        %dma_start3A_566 = tpu.memref_slice %arg14[%dma_start3A_563, %mul3A_561, %dma_start3A_565] : memref<4x200x64xf32, #tpu.memory_space<vmem>> -> memref<1x8x64xf32, #tpu.memory_space<vmem>>
        %dma_start3A_567 = tpu.memref_squeeze %dma_start3A_566 : memref<1x8x64xf32, #tpu.memory_space<vmem>> -> memref<8x64xf32, #tpu.memory_space<vmem>>
        %dma_start3A_568 = arith.constant 0 : i32
        %dma_start3A_569 = arith.constant 0 : i32
        %dma_start3A_570 = tpu.memref_slice %arg10[%add3A_562, %dma_start3A_564, %dma_start3A_568, %dma_start3A_569] : memref<102400x2x8x128xf32, #tpu.memory_space<hbm>> -> memref<1x1x8x64xf32, #tpu.memory_space<hbm>>
        %dma_start3A_571 = tpu.memref_squeeze %dma_start3A_570 : memref<1x1x8x64xf32, #tpu.memory_space<hbm>> -> memref<8x64xf32, #tpu.memory_space<hbm>>
        %dma_start3A_572 = arith.constant 0 : i32
        %dma_start3A_573 = arith.constant 0 : i32
        %dma_start3A_574 = tpu.memref_slice %arg10[%add3A_562, %dma_start3A_564, %dma_start3A_572, %dma_start3A_573] : memref<102400x2x8x128xf32, #tpu.memory_space<hbm>> -> memref<1x1x8x64xf32, #tpu.memory_space<hbm>>
        %dma_start3A_575 = tpu.memref_squeeze %dma_start3A_574 : memref<1x1x8x64xf32, #tpu.memory_space<hbm>> -> memref<8x64xf32, #tpu.memory_space<hbm>>
        %dma_start3A_576 = arith.constant 0 : i32
        %dma_start3A_577 = tpu.memref_slice %arg14[%dma_start3A_563, %mul3A_561, %dma_start3A_576] : memref<4x200x64xf32, #tpu.memory_space<vmem>> -> memref<1x8x64xf32, #tpu.memory_space<vmem>>
        %dma_start3A_578 = tpu.memref_squeeze %dma_start3A_577 : memref<1x8x64xf32, #tpu.memory_space<vmem>> -> memref<8x64xf32, #tpu.memory_space<vmem>>
        tpu.enqueue_dma source(%dma_start3A_578 : memref<8x64xf32, #tpu.memory_space<vmem>>) target(%dma_start3A_575 : memref<8x64xf32, #tpu.memory_space<hbm>>) target_semaphore(%arg18 : memref<!tpu.dma_semaphore, #tpu.memory_space<semaphore_mem>>)
        %mul3A_579 = arith.constant 8 : i32
        %mul3A_580 = arith.muli %mul3A_579, %scan3A_521 : i32
        %add3A_581 = arith.addi %select_n3A_494, %scan3A_521 : i32
        %dma_start3A_582 = arith.constant 3 : i32
        %dma_start3A_583 = arith.constant 1 : i32
        %dma_start3A_584 = arith.constant 0 : i32
        %dma_start3A_585 = tpu.memref_slice %arg14[%dma_start3A_582, %mul3A_580, %dma_start3A_584] : memref<4x200x64xf32, #tpu.memory_space<vmem>> -> memref<1x8x64xf32, #tpu.memory_space<vmem>>
        %dma_start3A_586 = tpu.memref_squeeze %dma_start3A_585 : memref<1x8x64xf32, #tpu.memory_space<vmem>> -> memref<8x64xf32, #tpu.memory_space<vmem>>
        %dma_start3A_587 = arith.constant 0 : i32
        %dma_start3A_588 = arith.constant 64 : i32
        %dma_start3A_589 = tpu.memref_slice %arg10[%add3A_581, %dma_start3A_583, %dma_start3A_587, %dma_start3A_588] : memref<102400x2x8x128xf32, #tpu.memory_space<hbm>> -> memref<1x1x8x64xf32, #tpu.memory_space<hbm>>
        %dma_start3A_590 = tpu.memref_squeeze %dma_start3A_589 : memref<1x1x8x64xf32, #tpu.memory_space<hbm>> -> memref<8x64xf32, #tpu.memory_space<hbm>>
        %dma_start3A_591 = arith.constant 0 : i32
        %dma_start3A_592 = arith.constant 64 : i32
        %dma_start3A_593 = tpu.memref_slice %arg10[%add3A_581, %dma_start3A_583, %dma_start3A_591, %dma_start3A_592] : memref<102400x2x8x128xf32, #tpu.memory_space<hbm>> -> memref<1x1x8x64xf32, #tpu.memory_space<hbm>>
        %dma_start3A_594 = tpu.memref_squeeze %dma_start3A_593 : memref<1x1x8x64xf32, #tpu.memory_space<hbm>> -> memref<8x64xf32, #tpu.memory_space<hbm>>
        %dma_start3A_595 = arith.constant 0 : i32
        %dma_start3A_596 = tpu.memref_slice %arg14[%dma_start3A_582, %mul3A_580, %dma_start3A_595] : memref<4x200x64xf32, #tpu.memory_space<vmem>> -> memref<1x8x64xf32, #tpu.memory_space<vmem>>
        %dma_start3A_597 = tpu.memref_squeeze %dma_start3A_596 : memref<1x8x64xf32, #tpu.memory_space<vmem>> -> memref<8x64xf32, #tpu.memory_space<vmem>>
        tpu.enqueue_dma source(%dma_start3A_597 : memref<8x64xf32, #tpu.memory_space<vmem>>) target(%dma_start3A_594 : memref<8x64xf32, #tpu.memory_space<hbm>>) target_semaphore(%arg18 : memref<!tpu.dma_semaphore, #tpu.memory_space<semaphore_mem>>)
      }
      %scan3A_500 = arith.constant 25 : i32
      %scan3A_501 = arith.constant 0 : i32
      %scan3A_502 = arith.constant 0 : i32
      %scan3A_503 = arith.constant 25 : i32
      %scan3A_504 = arith.addi %scan3A_502, %scan3A_503 : i32
      %scan3A_505 = arith.constant 1 : i32
      scf.for %scan3A_521 = %scan3A_502 to %scan3A_504 step %scan3A_505  : i32 {
        %jit3A_522 = arith.constant 8 : i32
        %div3A_523 = arith.divsi %mul3A_2, %jit3A_522 : i32
        %sign3A_524 = arith.constant 0 : i32
        %sign3A_525 = arith.cmpi sgt, %mul3A_2, %sign3A_524 : i32
        %sign3A_526 = arith.extui %sign3A_525 : i1 to i32
        %sign3A_527 = arith.constant 0 : i32
        %sign3A_528 = arith.cmpi slt, %mul3A_2, %sign3A_527 : i32
        %sign3A_529 = arith.extui %sign3A_528 : i1 to i32
        %sign3A_530 = arith.subi %sign3A_526, %sign3A_529 : i32
        %sign3A_531 = arith.constant 0 : i32
        %sign3A_532 = arith.cmpi sgt, %jit3A_522, %sign3A_531 : i32
        %sign3A_533 = arith.extui %sign3A_532 : i1 to i32
        %sign3A_534 = arith.constant 0 : i32
        %sign3A_535 = arith.cmpi slt, %jit3A_522, %sign3A_534 : i32
        %sign3A_536 = arith.extui %sign3A_535 : i1 to i32
        %sign3A_537 = arith.subi %sign3A_533, %sign3A_536 : i32
        %ne3A_538 = arith.cmpi ne, %sign3A_530, %sign3A_537 : i32
        %rem3A_539 = arith.remsi %mul3A_2, %jit3A_522 : i32
        %ne3A_540 = arith.constant 0 : i32
        %ne3A_541 = arith.cmpi ne, %rem3A_539, %ne3A_540 : i32
        %and3A_542 = arith.andi %ne3A_538, %ne3A_541 : i1
        %sub3A_543 = arith.constant 1 : i32
        %sub3A_544 = arith.subi %div3A_523, %sub3A_543 : i32
        %select_n3A_545 = arith.select %and3A_542, %sub3A_544, %div3A_523 : i32
        %dma_wait3A_546 = arith.constant 0 : i32
        %dma_wait3A_547 = arith.constant 0 : i32
        %dma_wait3A_548 = arith.constant 0 : i32
        %dma_wait3A_549 = arith.constant 0 : i32
        %dma_wait3A_550 = tpu.memref_slice %arg13[%dma_wait3A_546, %dma_wait3A_548, %dma_wait3A_549] : memref<4x200x64xf32, #tpu.memory_space<vmem>> -> memref<1x8x64xf32, #tpu.memory_space<vmem>>
        %dma_wait3A_551 = tpu.memref_squeeze %dma_wait3A_550 : memref<1x8x64xf32, #tpu.memory_space<vmem>> -> memref<8x64xf32, #tpu.memory_space<vmem>>
        %dma_wait3A_552 = arith.constant 0 : i32
        %dma_wait3A_553 = arith.constant 0 : i32
        %dma_wait3A_554 = tpu.memref_slice %arg10[%select_n3A_545, %dma_wait3A_547, %dma_wait3A_552, %dma_wait3A_553] : memref<102400x2x8x128xf32, #tpu.memory_space<hbm>> -> memref<1x1x8x64xf32, #tpu.memory_space<hbm>>
        %dma_wait3A_555 = tpu.memref_squeeze %dma_wait3A_554 : memref<1x1x8x64xf32, #tpu.memory_space<hbm>> -> memref<8x64xf32, #tpu.memory_space<hbm>>
        %dma_wait3A_556 = arith.constant 0 : i32
        %dma_wait3A_557 = arith.constant 0 : i32
        %dma_wait3A_558 = tpu.memref_slice %arg10[%select_n3A_545, %dma_wait3A_547, %dma_wait3A_556, %dma_wait3A_557] : memref<102400x2x8x128xf32, #tpu.memory_space<hbm>> -> memref<1x1x8x64xf32, #tpu.memory_space<hbm>>
        %dma_wait3A_559 = tpu.memref_squeeze %dma_wait3A_558 : memref<1x1x8x64xf32, #tpu.memory_space<hbm>> -> memref<8x64xf32, #tpu.memory_space<hbm>>
        %dma_wait3A_560 = arith.constant 0 : i32
        %dma_wait3A_561 = arith.constant 0 : i32
        %dma_wait3A_562 = tpu.memref_slice %arg13[%dma_wait3A_546, %dma_wait3A_560, %dma_wait3A_561] : memref<4x200x64xf32, #tpu.memory_space<vmem>> -> memref<1x8x64xf32, #tpu.memory_space<vmem>>
        %dma_wait3A_563 = tpu.memref_squeeze %dma_wait3A_562 : memref<1x8x64xf32, #tpu.memory_space<vmem>> -> memref<8x64xf32, #tpu.memory_space<vmem>>
        tpu.wait_dma2 semaphore(%arg17 : memref<!tpu.dma_semaphore, #tpu.memory_space<semaphore_mem>>) src(%dma_wait3A_563 : memref<8x64xf32, #tpu.memory_space<vmem>>) dst(%dma_wait3A_559 : memref<8x64xf32, #tpu.memory_space<hbm>>)
        %jit3A_564 = arith.constant 8 : i32
        %div3A_565 = arith.divsi %mul3A_2, %jit3A_564 : i32
        %sign3A_566 = arith.constant 0 : i32
        %sign3A_567 = arith.cmpi sgt, %mul3A_2, %sign3A_566 : i32
        %sign3A_568 = arith.extui %sign3A_567 : i1 to i32
        %sign3A_569 = arith.constant 0 : i32
        %sign3A_570 = arith.cmpi slt, %mul3A_2, %sign3A_569 : i32
        %sign3A_571 = arith.extui %sign3A_570 : i1 to i32
        %sign3A_572 = arith.subi %sign3A_568, %sign3A_571 : i32
        %sign3A_573 = arith.constant 0 : i32
        %sign3A_574 = arith.cmpi sgt, %jit3A_564, %sign3A_573 : i32
        %sign3A_575 = arith.extui %sign3A_574 : i1 to i32
        %sign3A_576 = arith.constant 0 : i32
        %sign3A_577 = arith.cmpi slt, %jit3A_564, %sign3A_576 : i32
        %sign3A_578 = arith.extui %sign3A_577 : i1 to i32
        %sign3A_579 = arith.subi %sign3A_575, %sign3A_578 : i32
        %ne3A_580 = arith.cmpi ne, %sign3A_572, %sign3A_579 : i32
        %rem3A_581 = arith.remsi %mul3A_2, %jit3A_564 : i32
        %ne3A_582 = arith.constant 0 : i32
        %ne3A_583 = arith.cmpi ne, %rem3A_581, %ne3A_582 : i32
        %and3A_584 = arith.andi %ne3A_580, %ne3A_583 : i1
        %sub3A_585 = arith.constant 1 : i32
        %sub3A_586 = arith.subi %div3A_565, %sub3A_585 : i32
        %select_n3A_587 = arith.select %and3A_584, %sub3A_586, %div3A_565 : i32
        %dma_wait3A_588 = arith.constant 1 : i32
        %dma_wait3A_589 = arith.constant 0 : i32
        %dma_wait3A_590 = arith.constant 0 : i32
        %dma_wait3A_591 = arith.constant 0 : i32
        %dma_wait3A_592 = tpu.memref_slice %arg13[%dma_wait3A_588, %dma_wait3A_590, %dma_wait3A_591] : memref<4x200x64xf32, #tpu.memory_space<vmem>> -> memref<1x8x64xf32, #tpu.memory_space<vmem>>
        %dma_wait3A_593 = tpu.memref_squeeze %dma_wait3A_592 : memref<1x8x64xf32, #tpu.memory_space<vmem>> -> memref<8x64xf32, #tpu.memory_space<vmem>>
        %dma_wait3A_594 = arith.constant 0 : i32
        %dma_wait3A_595 = arith.constant 64 : i32
        %dma_wait3A_596 = tpu.memref_slice %arg10[%select_n3A_587, %dma_wait3A_589, %dma_wait3A_594, %dma_wait3A_595] : memref<102400x2x8x128xf32, #tpu.memory_space<hbm>> -> memref<1x1x8x64xf32, #tpu.memory_space<hbm>>
        %dma_wait3A_597 = tpu.memref_squeeze %dma_wait3A_596 : memref<1x1x8x64xf32, #tpu.memory_space<hbm>> -> memref<8x64xf32, #tpu.memory_space<hbm>>
        %dma_wait3A_598 = arith.constant 0 : i32
        %dma_wait3A_599 = arith.constant 64 : i32
        %dma_wait3A_600 = tpu.memref_slice %arg10[%select_n3A_587, %dma_wait3A_589, %dma_wait3A_598, %dma_wait3A_599] : memref<102400x2x8x128xf32, #tpu.memory_space<hbm>> -> memref<1x1x8x64xf32, #tpu.memory_space<hbm>>
        %dma_wait3A_601 = tpu.memref_squeeze %dma_wait3A_600 : memref<1x1x8x64xf32, #tpu.memory_space<hbm>> -> memref<8x64xf32, #tpu.memory_space<hbm>>
        %dma_wait3A_602 = arith.constant 0 : i32
        %dma_wait3A_603 = arith.constant 0 : i32
        %dma_wait3A_604 = tpu.memref_slice %arg13[%dma_wait3A_588, %dma_wait3A_602, %dma_wait3A_603] : memref<4x200x64xf32, #tpu.memory_space<vmem>> -> memref<1x8x64xf32, #tpu.memory_space<vmem>>
        %dma_wait3A_605 = tpu.memref_squeeze %dma_wait3A_604 : memref<1x8x64xf32, #tpu.memory_space<vmem>> -> memref<8x64xf32, #tpu.memory_space<vmem>>
        tpu.wait_dma2 semaphore(%arg17 : memref<!tpu.dma_semaphore, #tpu.memory_space<semaphore_mem>>) src(%dma_wait3A_605 : memref<8x64xf32, #tpu.memory_space<vmem>>) dst(%dma_wait3A_601 : memref<8x64xf32, #tpu.memory_space<hbm>>)
        %jit3A_606 = arith.constant 8 : i32
        %div3A_607 = arith.divsi %mul3A_2, %jit3A_606 : i32
        %sign3A_608 = arith.constant 0 : i32
        %sign3A_609 = arith.cmpi sgt, %mul3A_2, %sign3A_608 : i32
        %sign3A_610 = arith.extui %sign3A_609 : i1 to i32
        %sign3A_611 = arith.constant 0 : i32
        %sign3A_612 = arith.cmpi slt, %mul3A_2, %sign3A_611 : i32
        %sign3A_613 = arith.extui %sign3A_612 : i1 to i32
        %sign3A_614 = arith.subi %sign3A_610, %sign3A_613 : i32
        %sign3A_615 = arith.constant 0 : i32
        %sign3A_616 = arith.cmpi sgt, %jit3A_606, %sign3A_615 : i32
        %sign3A_617 = arith.extui %sign3A_616 : i1 to i32
        %sign3A_618 = arith.constant 0 : i32
        %sign3A_619 = arith.cmpi slt, %jit3A_606, %sign3A_618 : i32
        %sign3A_620 = arith.extui %sign3A_619 : i1 to i32
        %sign3A_621 = arith.subi %sign3A_617, %sign3A_620 : i32
        %ne3A_622 = arith.cmpi ne, %sign3A_614, %sign3A_621 : i32
        %rem3A_623 = arith.remsi %mul3A_2, %jit3A_606 : i32
        %ne3A_624 = arith.constant 0 : i32
        %ne3A_625 = arith.cmpi ne, %rem3A_623, %ne3A_624 : i32
        %and3A_626 = arith.andi %ne3A_622, %ne3A_625 : i1
        %sub3A_627 = arith.constant 1 : i32
        %sub3A_628 = arith.subi %div3A_607, %sub3A_627 : i32
        %select_n3A_629 = arith.select %and3A_626, %sub3A_628, %div3A_607 : i32
        %dma_wait3A_630 = arith.constant 2 : i32
        %dma_wait3A_631 = arith.constant 1 : i32
        %dma_wait3A_632 = arith.constant 0 : i32
        %dma_wait3A_633 = arith.constant 0 : i32
        %dma_wait3A_634 = tpu.memref_slice %arg13[%dma_wait3A_630, %dma_wait3A_632, %dma_wait3A_633] : memref<4x200x64xf32, #tpu.memory_space<vmem>> -> memref<1x8x64xf32, #tpu.memory_space<vmem>>
        %dma_wait3A_635 = tpu.memref_squeeze %dma_wait3A_634 : memref<1x8x64xf32, #tpu.memory_space<vmem>> -> memref<8x64xf32, #tpu.memory_space<vmem>>
        %dma_wait3A_636 = arith.constant 0 : i32
        %dma_wait3A_637 = arith.constant 0 : i32
        %dma_wait3A_638 = tpu.memref_slice %arg10[%select_n3A_629, %dma_wait3A_631, %dma_wait3A_636, %dma_wait3A_637] : memref<102400x2x8x128xf32, #tpu.memory_space<hbm>> -> memref<1x1x8x64xf32, #tpu.memory_space<hbm>>
        %dma_wait3A_639 = tpu.memref_squeeze %dma_wait3A_638 : memref<1x1x8x64xf32, #tpu.memory_space<hbm>> -> memref<8x64xf32, #tpu.memory_space<hbm>>
        %dma_wait3A_640 = arith.constant 0 : i32
        %dma_wait3A_641 = arith.constant 0 : i32
        %dma_wait3A_642 = tpu.memref_slice %arg10[%select_n3A_629, %dma_wait3A_631, %dma_wait3A_640, %dma_wait3A_641] : memref<102400x2x8x128xf32, #tpu.memory_space<hbm>> -> memref<1x1x8x64xf32, #tpu.memory_space<hbm>>
        %dma_wait3A_643 = tpu.memref_squeeze %dma_wait3A_642 : memref<1x1x8x64xf32, #tpu.memory_space<hbm>> -> memref<8x64xf32, #tpu.memory_space<hbm>>
        %dma_wait3A_644 = arith.constant 0 : i32
        %dma_wait3A_645 = arith.constant 0 : i32
        %dma_wait3A_646 = tpu.memref_slice %arg13[%dma_wait3A_630, %dma_wait3A_644, %dma_wait3A_645] : memref<4x200x64xf32, #tpu.memory_space<vmem>> -> memref<1x8x64xf32, #tpu.memory_space<vmem>>
        %dma_wait3A_647 = tpu.memref_squeeze %dma_wait3A_646 : memref<1x8x64xf32, #tpu.memory_space<vmem>> -> memref<8x64xf32, #tpu.memory_space<vmem>>
        tpu.wait_dma2 semaphore(%arg17 : memref<!tpu.dma_semaphore, #tpu.memory_space<semaphore_mem>>) src(%dma_wait3A_647 : memref<8x64xf32, #tpu.memory_space<vmem>>) dst(%dma_wait3A_643 : memref<8x64xf32, #tpu.memory_space<hbm>>)
        %jit3A_648 = arith.constant 8 : i32
        %div3A_649 = arith.divsi %mul3A_2, %jit3A_648 : i32
        %sign3A_650 = arith.constant 0 : i32
        %sign3A_651 = arith.cmpi sgt, %mul3A_2, %sign3A_650 : i32
        %sign3A_652 = arith.extui %sign3A_651 : i1 to i32
        %sign3A_653 = arith.constant 0 : i32
        %sign3A_654 = arith.cmpi slt, %mul3A_2, %sign3A_653 : i32
        %sign3A_655 = arith.extui %sign3A_654 : i1 to i32
        %sign3A_656 = arith.subi %sign3A_652, %sign3A_655 : i32
        %sign3A_657 = arith.constant 0 : i32
        %sign3A_658 = arith.cmpi sgt, %jit3A_648, %sign3A_657 : i32
        %sign3A_659 = arith.extui %sign3A_658 : i1 to i32
        %sign3A_660 = arith.constant 0 : i32
        %sign3A_661 = arith.cmpi slt, %jit3A_648, %sign3A_660 : i32
        %sign3A_662 = arith.extui %sign3A_661 : i1 to i32
        %sign3A_663 = arith.subi %sign3A_659, %sign3A_662 : i32
        %ne3A_664 = arith.cmpi ne, %sign3A_656, %sign3A_663 : i32
        %rem3A_665 = arith.remsi %mul3A_2, %jit3A_648 : i32
        %ne3A_666 = arith.constant 0 : i32
        %ne3A_667 = arith.cmpi ne, %rem3A_665, %ne3A_666 : i32
        %and3A_668 = arith.andi %ne3A_664, %ne3A_667 : i1
        %sub3A_669 = arith.constant 1 : i32
        %sub3A_670 = arith.subi %div3A_649, %sub3A_669 : i32
        %select_n3A_671 = arith.select %and3A_668, %sub3A_670, %div3A_649 : i32
        %dma_wait3A_672 = arith.constant 3 : i32
        %dma_wait3A_673 = arith.constant 1 : i32
        %dma_wait3A_674 = arith.constant 0 : i32
        %dma_wait3A_675 = arith.constant 0 : i32
        %dma_wait3A_676 = tpu.memref_slice %arg13[%dma_wait3A_672, %dma_wait3A_674, %dma_wait3A_675] : memref<4x200x64xf32, #tpu.memory_space<vmem>> -> memref<1x8x64xf32, #tpu.memory_space<vmem>>
        %dma_wait3A_677 = tpu.memref_squeeze %dma_wait3A_676 : memref<1x8x64xf32, #tpu.memory_space<vmem>> -> memref<8x64xf32, #tpu.memory_space<vmem>>
        %dma_wait3A_678 = arith.constant 0 : i32
        %dma_wait3A_679 = arith.constant 64 : i32
        %dma_wait3A_680 = tpu.memref_slice %arg10[%select_n3A_671, %dma_wait3A_673, %dma_wait3A_678, %dma_wait3A_679] : memref<102400x2x8x128xf32, #tpu.memory_space<hbm>> -> memref<1x1x8x64xf32, #tpu.memory_space<hbm>>
        %dma_wait3A_681 = tpu.memref_squeeze %dma_wait3A_680 : memref<1x1x8x64xf32, #tpu.memory_space<hbm>> -> memref<8x64xf32, #tpu.memory_space<hbm>>
        %dma_wait3A_682 = arith.constant 0 : i32
        %dma_wait3A_683 = arith.constant 64 : i32
        %dma_wait3A_684 = tpu.memref_slice %arg10[%select_n3A_671, %dma_wait3A_673, %dma_wait3A_682, %dma_wait3A_683] : memref<102400x2x8x128xf32, #tpu.memory_space<hbm>> -> memref<1x1x8x64xf32, #tpu.memory_space<hbm>>
        %dma_wait3A_685 = tpu.memref_squeeze %dma_wait3A_684 : memref<1x1x8x64xf32, #tpu.memory_space<hbm>> -> memref<8x64xf32, #tpu.memory_space<hbm>>
        %dma_wait3A_686 = arith.constant 0 : i32
        %dma_wait3A_687 = arith.constant 0 : i32
        %dma_wait3A_688 = tpu.memref_slice %arg13[%dma_wait3A_672, %dma_wait3A_686, %dma_wait3A_687] : memref<4x200x64xf32, #tpu.memory_space<vmem>> -> memref<1x8x64xf32, #tpu.memory_space<vmem>>
        %dma_wait3A_689 = tpu.memref_squeeze %dma_wait3A_688 : memref<1x8x64xf32, #tpu.memory_space<vmem>> -> memref<8x64xf32, #tpu.memory_space<vmem>>
        tpu.wait_dma2 semaphore(%arg17 : memref<!tpu.dma_semaphore, #tpu.memory_space<semaphore_mem>>) src(%dma_wait3A_689 : memref<8x64xf32, #tpu.memory_space<vmem>>) dst(%dma_wait3A_685 : memref<8x64xf32, #tpu.memory_space<hbm>>)
      }
      %scan3A_506 = arith.constant 25 : i32
      %add3A_507 = arith.constant 1 : i32
      %add3A_508 = arith.addi %add3A_238, %add3A_507 : i32
      %lt3A_509 = arith.constant 128 : i32
      %lt3A_510 = arith.cmpi slt, %add3A_508, %lt3A_509 : i32
      %convert_element_type3A_511 = arith.extui %lt3A_510 : i1 to i32
      %cond3A_512 = arith.constant 0 : i32
      %cond3A_513 = arith.cmpi ne, %convert_element_type3A_511, %cond3A_512 : i32
      scf.if %cond3A_513 {
        %dma_wait3A_521 = arith.constant 0 : i32
        %dma_wait3A_522 = arith.constant 0 : i32
        %dma_wait3A_523 = tpu.memref_slice %arg11[%dma_wait3A_521, %dma_wait3A_522] : memref<4x200xi32, #tpu.memory_space<vmem>> -> memref<1x200xi32, #tpu.memory_space<vmem>>
        %dma_wait3A_524 = tpu.memref_squeeze %dma_wait3A_523 : memref<1x200xi32, #tpu.memory_space<vmem>> -> memref<200xi32, #tpu.memory_space<vmem>>
        %dma_wait3A_525 = arith.constant 0 : i32
        %dma_wait3A_526 = tpu.memref_slice %arg6[%mul3A_4, %dma_wait3A_525] : memref<4096x200xi32, #tpu.memory_space<hbm>> -> memref<1x200xi32, #tpu.memory_space<hbm>>
        %dma_wait3A_527 = tpu.memref_squeeze %dma_wait3A_526 : memref<1x200xi32, #tpu.memory_space<hbm>> -> memref<200xi32, #tpu.memory_space<hbm>>
        %dma_wait3A_528 = arith.constant 0 : i32
        %dma_wait3A_529 = tpu.memref_slice %arg11[%dma_wait3A_521, %dma_wait3A_528] : memref<4x200xi32, #tpu.memory_space<vmem>> -> memref<1x200xi32, #tpu.memory_space<vmem>>
        %dma_wait3A_530 = tpu.memref_squeeze %dma_wait3A_529 : memref<1x200xi32, #tpu.memory_space<vmem>> -> memref<200xi32, #tpu.memory_space<vmem>>
        %dma_wait3A_531 = arith.constant 0 : i32
        %dma_wait3A_532 = tpu.memref_slice %arg6[%mul3A_4, %dma_wait3A_531] : memref<4096x200xi32, #tpu.memory_space<hbm>> -> memref<1x200xi32, #tpu.memory_space<hbm>>
        %dma_wait3A_533 = tpu.memref_squeeze %dma_wait3A_532 : memref<1x200xi32, #tpu.memory_space<hbm>> -> memref<200xi32, #tpu.memory_space<hbm>>
        tpu.wait_dma2 semaphore(%arg15 : memref<!tpu.dma_semaphore, #tpu.memory_space<semaphore_mem>>) src(%dma_wait3A_533 : memref<200xi32, #tpu.memory_space<hbm>>) dst(%dma_wait3A_530 : memref<200xi32, #tpu.memory_space<vmem>>)
        %dma_wait3A_534 = arith.constant 1 : i32
        %dma_wait3A_535 = arith.constant 0 : i32
        %dma_wait3A_536 = tpu.memref_slice %arg11[%dma_wait3A_534, %dma_wait3A_535] : memref<4x200xi32, #tpu.memory_space<vmem>> -> memref<1x200xi32, #tpu.memory_space<vmem>>
        %dma_wait3A_537 = tpu.memref_squeeze %dma_wait3A_536 : memref<1x200xi32, #tpu.memory_space<vmem>> -> memref<200xi32, #tpu.memory_space<vmem>>
        %dma_wait3A_538 = arith.constant 0 : i32
        %dma_wait3A_539 = tpu.memref_slice %arg7[%mul3A_4, %dma_wait3A_538] : memref<4096x200xi32, #tpu.memory_space<hbm>> -> memref<1x200xi32, #tpu.memory_space<hbm>>
        %dma_wait3A_540 = tpu.memref_squeeze %dma_wait3A_539 : memref<1x200xi32, #tpu.memory_space<hbm>> -> memref<200xi32, #tpu.memory_space<hbm>>
        %dma_wait3A_541 = arith.constant 0 : i32
        %dma_wait3A_542 = tpu.memref_slice %arg11[%dma_wait3A_534, %dma_wait3A_541] : memref<4x200xi32, #tpu.memory_space<vmem>> -> memref<1x200xi32, #tpu.memory_space<vmem>>
        %dma_wait3A_543 = tpu.memref_squeeze %dma_wait3A_542 : memref<1x200xi32, #tpu.memory_space<vmem>> -> memref<200xi32, #tpu.memory_space<vmem>>
        %dma_wait3A_544 = arith.constant 0 : i32
        %dma_wait3A_545 = tpu.memref_slice %arg7[%mul3A_4, %dma_wait3A_544] : memref<4096x200xi32, #tpu.memory_space<hbm>> -> memref<1x200xi32, #tpu.memory_space<hbm>>
        %dma_wait3A_546 = tpu.memref_squeeze %dma_wait3A_545 : memref<1x200xi32, #tpu.memory_space<hbm>> -> memref<200xi32, #tpu.memory_space<hbm>>
        tpu.wait_dma2 semaphore(%arg15 : memref<!tpu.dma_semaphore, #tpu.memory_space<semaphore_mem>>) src(%dma_wait3A_546 : memref<200xi32, #tpu.memory_space<hbm>>) dst(%dma_wait3A_543 : memref<200xi32, #tpu.memory_space<vmem>>)
        %dma_wait3A_547 = arith.constant 2 : i32
        %dma_wait3A_548 = arith.constant 0 : i32
        %dma_wait3A_549 = tpu.memref_slice %arg11[%dma_wait3A_547, %dma_wait3A_548] : memref<4x200xi32, #tpu.memory_space<vmem>> -> memref<1x200xi32, #tpu.memory_space<vmem>>
        %dma_wait3A_550 = tpu.memref_squeeze %dma_wait3A_549 : memref<1x200xi32, #tpu.memory_space<vmem>> -> memref<200xi32, #tpu.memory_space<vmem>>
        %dma_wait3A_551 = arith.constant 0 : i32
        %dma_wait3A_552 = tpu.memref_slice %arg8[%mul3A_4, %dma_wait3A_551] : memref<4096x200xi32, #tpu.memory_space<hbm>> -> memref<1x200xi32, #tpu.memory_space<hbm>>
        %dma_wait3A_553 = tpu.memref_squeeze %dma_wait3A_552 : memref<1x200xi32, #tpu.memory_space<hbm>> -> memref<200xi32, #tpu.memory_space<hbm>>
        %dma_wait3A_554 = arith.constant 0 : i32
        %dma_wait3A_555 = tpu.memref_slice %arg11[%dma_wait3A_547, %dma_wait3A_554] : memref<4x200xi32, #tpu.memory_space<vmem>> -> memref<1x200xi32, #tpu.memory_space<vmem>>
        %dma_wait3A_556 = tpu.memref_squeeze %dma_wait3A_555 : memref<1x200xi32, #tpu.memory_space<vmem>> -> memref<200xi32, #tpu.memory_space<vmem>>
        %dma_wait3A_557 = arith.constant 0 : i32
        %dma_wait3A_558 = tpu.memref_slice %arg8[%mul3A_4, %dma_wait3A_557] : memref<4096x200xi32, #tpu.memory_space<hbm>> -> memref<1x200xi32, #tpu.memory_space<hbm>>
        %dma_wait3A_559 = tpu.memref_squeeze %dma_wait3A_558 : memref<1x200xi32, #tpu.memory_space<hbm>> -> memref<200xi32, #tpu.memory_space<hbm>>
        tpu.wait_dma2 semaphore(%arg15 : memref<!tpu.dma_semaphore, #tpu.memory_space<semaphore_mem>>) src(%dma_wait3A_559 : memref<200xi32, #tpu.memory_space<hbm>>) dst(%dma_wait3A_556 : memref<200xi32, #tpu.memory_space<vmem>>)
        %dma_wait3A_560 = arith.constant 3 : i32
        %dma_wait3A_561 = arith.constant 0 : i32
        %dma_wait3A_562 = tpu.memref_slice %arg11[%dma_wait3A_560, %dma_wait3A_561] : memref<4x200xi32, #tpu.memory_space<vmem>> -> memref<1x200xi32, #tpu.memory_space<vmem>>
        %dma_wait3A_563 = tpu.memref_squeeze %dma_wait3A_562 : memref<1x200xi32, #tpu.memory_space<vmem>> -> memref<200xi32, #tpu.memory_space<vmem>>
        %dma_wait3A_564 = arith.constant 0 : i32
        %dma_wait3A_565 = tpu.memref_slice %arg9[%mul3A_4, %dma_wait3A_564] : memref<4096x200xi32, #tpu.memory_space<hbm>> -> memref<1x200xi32, #tpu.memory_space<hbm>>
        %dma_wait3A_566 = tpu.memref_squeeze %dma_wait3A_565 : memref<1x200xi32, #tpu.memory_space<hbm>> -> memref<200xi32, #tpu.memory_space<hbm>>
        %dma_wait3A_567 = arith.constant 0 : i32
        %dma_wait3A_568 = tpu.memref_slice %arg11[%dma_wait3A_560, %dma_wait3A_567] : memref<4x200xi32, #tpu.memory_space<vmem>> -> memref<1x200xi32, #tpu.memory_space<vmem>>
        %dma_wait3A_569 = tpu.memref_squeeze %dma_wait3A_568 : memref<1x200xi32, #tpu.memory_space<vmem>> -> memref<200xi32, #tpu.memory_space<vmem>>
        %dma_wait3A_570 = arith.constant 0 : i32
        %dma_wait3A_571 = tpu.memref_slice %arg9[%mul3A_4, %dma_wait3A_570] : memref<4096x200xi32, #tpu.memory_space<hbm>> -> memref<1x200xi32, #tpu.memory_space<hbm>>
        %dma_wait3A_572 = tpu.memref_squeeze %dma_wait3A_571 : memref<1x200xi32, #tpu.memory_space<hbm>> -> memref<200xi32, #tpu.memory_space<hbm>>
        tpu.wait_dma2 semaphore(%arg15 : memref<!tpu.dma_semaphore, #tpu.memory_space<semaphore_mem>>) src(%dma_wait3A_572 : memref<200xi32, #tpu.memory_space<hbm>>) dst(%dma_wait3A_569 : memref<200xi32, #tpu.memory_space<vmem>>)
        %dma_start3A_573 = arith.constant 0 : i32
        %dma_start3A_574 = arith.constant 0 : i32
        %dma_start3A_575 = arith.constant 0 : i32
        %dma_start3A_576 = arith.constant 0 : i32
        %dma_start3A_577 = tpu.memref_slice %arg13[%dma_start3A_574, %dma_start3A_575, %dma_start3A_576] : memref<4x200x64xf32, #tpu.memory_space<vmem>> -> memref<1x200x64xf32, #tpu.memory_space<vmem>>
        %dma_start3A_578 = tpu.memref_squeeze %dma_start3A_577 : memref<1x200x64xf32, #tpu.memory_space<vmem>> -> memref<200x64xf32, #tpu.memory_space<vmem>>
        %dma_start3A_579 = arith.constant 0 : i32
        %dma_start3A_580 = tpu.memref_slice %arg11[%dma_start3A_573, %dma_start3A_579] : memref<4x200xi32, #tpu.memory_space<vmem>> -> memref<1x200xi32, #tpu.memory_space<vmem>>
        %dma_start3A_581 = tpu.memref_squeeze %dma_start3A_580 : memref<1x200xi32, #tpu.memory_space<vmem>> -> memref<200xi32, #tpu.memory_space<vmem>>
        %dma_start3A_582 = arith.constant 0 : i32
        %dma_start3A_583 = arith.constant 0 : i32
        %dma_start3A_584 = tpu.memref_slice %arg2[%dma_start3A_582, %dma_start3A_583] : memref<100000x64xf32, #tpu.memory_space<hbm>> -> memref<100000x64xf32, #tpu.memory_space<hbm>>
        tpu.enqueue_indirect_dma source(%dma_start3A_584 : memref<100000x64xf32, #tpu.memory_space<hbm>>) target(%dma_start3A_578 : memref<200x64xf32, #tpu.memory_space<vmem>>) offsets(%dma_start3A_581 : memref<200xi32, #tpu.memory_space<vmem>>) semaphore(%arg16 : memref<!tpu.dma_semaphore, #tpu.memory_space<semaphore_mem>>)
        %dma_start3A_585 = arith.constant 1 : i32
        %dma_start3A_586 = arith.constant 1 : i32
        %dma_start3A_587 = arith.constant 0 : i32
        %dma_start3A_588 = arith.constant 0 : i32
        %dma_start3A_589 = tpu.memref_slice %arg13[%dma_start3A_586, %dma_start3A_587, %dma_start3A_588] : memref<4x200x64xf32, #tpu.memory_space<vmem>> -> memref<1x200x64xf32, #tpu.memory_space<vmem>>
        %dma_start3A_590 = tpu.memref_squeeze %dma_start3A_589 : memref<1x200x64xf32, #tpu.memory_space<vmem>> -> memref<200x64xf32, #tpu.memory_space<vmem>>
        %dma_start3A_591 = arith.constant 0 : i32
        %dma_start3A_592 = tpu.memref_slice %arg11[%dma_start3A_585, %dma_start3A_591] : memref<4x200xi32, #tpu.memory_space<vmem>> -> memref<1x200xi32, #tpu.memory_space<vmem>>
        %dma_start3A_593 = tpu.memref_squeeze %dma_start3A_592 : memref<1x200xi32, #tpu.memory_space<vmem>> -> memref<200xi32, #tpu.memory_space<vmem>>
        %dma_start3A_594 = arith.constant 0 : i32
        %dma_start3A_595 = arith.constant 0 : i32
        %dma_start3A_596 = tpu.memref_slice %arg3[%dma_start3A_594, %dma_start3A_595] : memref<100000x64xf32, #tpu.memory_space<hbm>> -> memref<100000x64xf32, #tpu.memory_space<hbm>>
        tpu.enqueue_indirect_dma source(%dma_start3A_596 : memref<100000x64xf32, #tpu.memory_space<hbm>>) target(%dma_start3A_590 : memref<200x64xf32, #tpu.memory_space<vmem>>) offsets(%dma_start3A_593 : memref<200xi32, #tpu.memory_space<vmem>>) semaphore(%arg16 : memref<!tpu.dma_semaphore, #tpu.memory_space<semaphore_mem>>)
        %dma_start3A_597 = arith.constant 2 : i32
        %dma_start3A_598 = arith.constant 2 : i32
        %dma_start3A_599 = arith.constant 0 : i32
        %dma_start3A_600 = arith.constant 0 : i32
        %dma_start3A_601 = tpu.memref_slice %arg13[%dma_start3A_598, %dma_start3A_599, %dma_start3A_600] : memref<4x200x64xf32, #tpu.memory_space<vmem>> -> memref<1x200x64xf32, #tpu.memory_space<vmem>>
        %dma_start3A_602 = tpu.memref_squeeze %dma_start3A_601 : memref<1x200x64xf32, #tpu.memory_space<vmem>> -> memref<200x64xf32, #tpu.memory_space<vmem>>
        %dma_start3A_603 = arith.constant 0 : i32
        %dma_start3A_604 = tpu.memref_slice %arg11[%dma_start3A_597, %dma_start3A_603] : memref<4x200xi32, #tpu.memory_space<vmem>> -> memref<1x200xi32, #tpu.memory_space<vmem>>
        %dma_start3A_605 = tpu.memref_squeeze %dma_start3A_604 : memref<1x200xi32, #tpu.memory_space<vmem>> -> memref<200xi32, #tpu.memory_space<vmem>>
        %dma_start3A_606 = arith.constant 0 : i32
        %dma_start3A_607 = arith.constant 0 : i32
        %dma_start3A_608 = tpu.memref_slice %arg4[%dma_start3A_606, %dma_start3A_607] : memref<100000x64xf32, #tpu.memory_space<hbm>> -> memref<100000x64xf32, #tpu.memory_space<hbm>>
        tpu.enqueue_indirect_dma source(%dma_start3A_608 : memref<100000x64xf32, #tpu.memory_space<hbm>>) target(%dma_start3A_602 : memref<200x64xf32, #tpu.memory_space<vmem>>) offsets(%dma_start3A_605 : memref<200xi32, #tpu.memory_space<vmem>>) semaphore(%arg16 : memref<!tpu.dma_semaphore, #tpu.memory_space<semaphore_mem>>)
        %dma_start3A_609 = arith.constant 3 : i32
        %dma_start3A_610 = arith.constant 3 : i32
        %dma_start3A_611 = arith.constant 0 : i32
        %dma_start3A_612 = arith.constant 0 : i32
        %dma_start3A_613 = tpu.memref_slice %arg13[%dma_start3A_610, %dma_start3A_611, %dma_start3A_612] : memref<4x200x64xf32, #tpu.memory_space<vmem>> -> memref<1x200x64xf32, #tpu.memory_space<vmem>>
        %dma_start3A_614 = tpu.memref_squeeze %dma_start3A_613 : memref<1x200x64xf32, #tpu.memory_space<vmem>> -> memref<200x64xf32, #tpu.memory_space<vmem>>
        %dma_start3A_615 = arith.constant 0 : i32
        %dma_start3A_616 = tpu.memref_slice %arg11[%dma_start3A_609, %dma_start3A_615] : memref<4x200xi32, #tpu.memory_space<vmem>> -> memref<1x200xi32, #tpu.memory_space<vmem>>
        %dma_start3A_617 = tpu.memref_squeeze %dma_start3A_616 : memref<1x200xi32, #tpu.memory_space<vmem>> -> memref<200xi32, #tpu.memory_space<vmem>>
        %dma_start3A_618 = arith.constant 0 : i32
        %dma_start3A_619 = arith.constant 0 : i32
        %dma_start3A_620 = tpu.memref_slice %arg5[%dma_start3A_618, %dma_start3A_619] : memref<100000x64xf32, #tpu.memory_space<hbm>> -> memref<100000x64xf32, #tpu.memory_space<hbm>>
        tpu.enqueue_indirect_dma source(%dma_start3A_620 : memref<100000x64xf32, #tpu.memory_space<hbm>>) target(%dma_start3A_614 : memref<200x64xf32, #tpu.memory_space<vmem>>) offsets(%dma_start3A_617 : memref<200xi32, #tpu.memory_space<vmem>>) semaphore(%arg16 : memref<!tpu.dma_semaphore, #tpu.memory_space<semaphore_mem>>)
      } else {
      }
      %add3A_514 = arith.constant 2 : i32
      %add3A_515 = arith.addi %add3A_238, %add3A_514 : i32
      %lt3A_516 = arith.constant 128 : i32
      %lt3A_517 = arith.cmpi slt, %add3A_515, %lt3A_516 : i32
      %convert_element_type3A_518 = arith.extui %lt3A_517 : i1 to i32
      %cond3A_519 = arith.constant 0 : i32
      %cond3A_520 = arith.cmpi ne, %convert_element_type3A_518, %cond3A_519 : i32
      scf.if %cond3A_520 {
        %add3A_521 = arith.constant 2 : i32
        %add3A_522 = arith.addi %add3A_238, %add3A_521 : i32
        %add3A_523 = arith.addi %mul3A_4, %add3A_522 : i32
        %dma_start3A_524 = arith.constant 0 : i32
        %dma_start3A_525 = arith.constant 0 : i32
        %dma_start3A_526 = tpu.memref_slice %arg12[%dma_start3A_524, %dma_start3A_525] : memref<4x200xi32, #tpu.memory_space<vmem>> -> memref<1x200xi32, #tpu.memory_space<vmem>>
        %dma_start3A_527 = tpu.memref_squeeze %dma_start3A_526 : memref<1x200xi32, #tpu.memory_space<vmem>> -> memref<200xi32, #tpu.memory_space<vmem>>
        %dma_start3A_528 = arith.constant 0 : i32
        %dma_start3A_529 = tpu.memref_slice %arg6[%add3A_523, %dma_start3A_528] : memref<4096x200xi32, #tpu.memory_space<hbm>> -> memref<1x200xi32, #tpu.memory_space<hbm>>
        %dma_start3A_530 = tpu.memref_squeeze %dma_start3A_529 : memref<1x200xi32, #tpu.memory_space<hbm>> -> memref<200xi32, #tpu.memory_space<hbm>>
        %dma_start3A_531 = arith.constant 0 : i32
        %dma_start3A_532 = tpu.memref_slice %arg12[%dma_start3A_524, %dma_start3A_531] : memref<4x200xi32, #tpu.memory_space<vmem>> -> memref<1x200xi32, #tpu.memory_space<vmem>>
        %dma_start3A_533 = tpu.memref_squeeze %dma_start3A_532 : memref<1x200xi32, #tpu.memory_space<vmem>> -> memref<200xi32, #tpu.memory_space<vmem>>
        %dma_start3A_534 = arith.constant 0 : i32
        %dma_start3A_535 = tpu.memref_slice %arg6[%add3A_523, %dma_start3A_534] : memref<4096x200xi32, #tpu.memory_space<hbm>> -> memref<1x200xi32, #tpu.memory_space<hbm>>
        %dma_start3A_536 = tpu.memref_squeeze %dma_start3A_535 : memref<1x200xi32, #tpu.memory_space<hbm>> -> memref<200xi32, #tpu.memory_space<hbm>>
        tpu.enqueue_dma source(%dma_start3A_536 : memref<200xi32, #tpu.memory_space<hbm>>) target(%dma_start3A_533 : memref<200xi32, #tpu.memory_space<vmem>>) target_semaphore(%arg15 : memref<!tpu.dma_semaphore, #tpu.memory_space<semaphore_mem>>)
        %add3A_537 = arith.addi %mul3A_4, %add3A_522 : i32
        %dma_start3A_538 = arith.constant 1 : i32
        %dma_start3A_539 = arith.constant 0 : i32
        %dma_start3A_540 = tpu.memref_slice %arg12[%dma_start3A_538, %dma_start3A_539] : memref<4x200xi32, #tpu.memory_space<vmem>> -> memref<1x200xi32, #tpu.memory_space<vmem>>
        %dma_start3A_541 = tpu.memref_squeeze %dma_start3A_540 : memref<1x200xi32, #tpu.memory_space<vmem>> -> memref<200xi32, #tpu.memory_space<vmem>>
        %dma_start3A_542 = arith.constant 0 : i32
        %dma_start3A_543 = tpu.memref_slice %arg7[%add3A_537, %dma_start3A_542] : memref<4096x200xi32, #tpu.memory_space<hbm>> -> memref<1x200xi32, #tpu.memory_space<hbm>>
        %dma_start3A_544 = tpu.memref_squeeze %dma_start3A_543 : memref<1x200xi32, #tpu.memory_space<hbm>> -> memref<200xi32, #tpu.memory_space<hbm>>
        %dma_start3A_545 = arith.constant 0 : i32
        %dma_start3A_546 = tpu.memref_slice %arg12[%dma_start3A_538, %dma_start3A_545] : memref<4x200xi32, #tpu.memory_space<vmem>> -> memref<1x200xi32, #tpu.memory_space<vmem>>
        %dma_start3A_547 = tpu.memref_squeeze %dma_start3A_546 : memref<1x200xi32, #tpu.memory_space<vmem>> -> memref<200xi32, #tpu.memory_space<vmem>>
        %dma_start3A_548 = arith.constant 0 : i32
        %dma_start3A_549 = tpu.memref_slice %arg7[%add3A_537, %dma_start3A_548] : memref<4096x200xi32, #tpu.memory_space<hbm>> -> memref<1x200xi32, #tpu.memory_space<hbm>>
        %dma_start3A_550 = tpu.memref_squeeze %dma_start3A_549 : memref<1x200xi32, #tpu.memory_space<hbm>> -> memref<200xi32, #tpu.memory_space<hbm>>
        tpu.enqueue_dma source(%dma_start3A_550 : memref<200xi32, #tpu.memory_space<hbm>>) target(%dma_start3A_547 : memref<200xi32, #tpu.memory_space<vmem>>) target_semaphore(%arg15 : memref<!tpu.dma_semaphore, #tpu.memory_space<semaphore_mem>>)
        %add3A_551 = arith.addi %mul3A_4, %add3A_522 : i32
        %dma_start3A_552 = arith.constant 2 : i32
        %dma_start3A_553 = arith.constant 0 : i32
        %dma_start3A_554 = tpu.memref_slice %arg12[%dma_start3A_552, %dma_start3A_553] : memref<4x200xi32, #tpu.memory_space<vmem>> -> memref<1x200xi32, #tpu.memory_space<vmem>>
        %dma_start3A_555 = tpu.memref_squeeze %dma_start3A_554 : memref<1x200xi32, #tpu.memory_space<vmem>> -> memref<200xi32, #tpu.memory_space<vmem>>
        %dma_start3A_556 = arith.constant 0 : i32
        %dma_start3A_557 = tpu.memref_slice %arg8[%add3A_551, %dma_start3A_556] : memref<4096x200xi32, #tpu.memory_space<hbm>> -> memref<1x200xi32, #tpu.memory_space<hbm>>
        %dma_start3A_558 = tpu.memref_squeeze %dma_start3A_557 : memref<1x200xi32, #tpu.memory_space<hbm>> -> memref<200xi32, #tpu.memory_space<hbm>>
        %dma_start3A_559 = arith.constant 0 : i32
        %dma_start3A_560 = tpu.memref_slice %arg12[%dma_start3A_552, %dma_start3A_559] : memref<4x200xi32, #tpu.memory_space<vmem>> -> memref<1x200xi32, #tpu.memory_space<vmem>>
        %dma_start3A_561 = tpu.memref_squeeze %dma_start3A_560 : memref<1x200xi32, #tpu.memory_space<vmem>> -> memref<200xi32, #tpu.memory_space<vmem>>
        %dma_start3A_562 = arith.constant 0 : i32
        %dma_start3A_563 = tpu.memref_slice %arg8[%add3A_551, %dma_start3A_562] : memref<4096x200xi32, #tpu.memory_space<hbm>> -> memref<1x200xi32, #tpu.memory_space<hbm>>
        %dma_start3A_564 = tpu.memref_squeeze %dma_start3A_563 : memref<1x200xi32, #tpu.memory_space<hbm>> -> memref<200xi32, #tpu.memory_space<hbm>>
        tpu.enqueue_dma source(%dma_start3A_564 : memref<200xi32, #tpu.memory_space<hbm>>) target(%dma_start3A_561 : memref<200xi32, #tpu.memory_space<vmem>>) target_semaphore(%arg15 : memref<!tpu.dma_semaphore, #tpu.memory_space<semaphore_mem>>)
        %add3A_565 = arith.addi %mul3A_4, %add3A_522 : i32
        %dma_start3A_566 = arith.constant 3 : i32
        %dma_start3A_567 = arith.constant 0 : i32
        %dma_start3A_568 = tpu.memref_slice %arg12[%dma_start3A_566, %dma_start3A_567] : memref<4x200xi32, #tpu.memory_space<vmem>> -> memref<1x200xi32, #tpu.memory_space<vmem>>
        %dma_start3A_569 = tpu.memref_squeeze %dma_start3A_568 : memref<1x200xi32, #tpu.memory_space<vmem>> -> memref<200xi32, #tpu.memory_space<vmem>>
        %dma_start3A_570 = arith.constant 0 : i32
        %dma_start3A_571 = tpu.memref_slice %arg9[%add3A_565, %dma_start3A_570] : memref<4096x200xi32, #tpu.memory_space<hbm>> -> memref<1x200xi32, #tpu.memory_space<hbm>>
        %dma_start3A_572 = tpu.memref_squeeze %dma_start3A_571 : memref<1x200xi32, #tpu.memory_space<hbm>> -> memref<200xi32, #tpu.memory_space<hbm>>
        %dma_start3A_573 = arith.constant 0 : i32
        %dma_start3A_574 = tpu.memref_slice %arg12[%dma_start3A_566, %dma_start3A_573] : memref<4x200xi32, #tpu.memory_space<vmem>> -> memref<1x200xi32, #tpu.memory_space<vmem>>
        %dma_start3A_575 = tpu.memref_squeeze %dma_start3A_574 : memref<1x200xi32, #tpu.memory_space<vmem>> -> memref<200xi32, #tpu.memory_space<vmem>>
        %dma_start3A_576 = arith.constant 0 : i32
        %dma_start3A_577 = tpu.memref_slice %arg9[%add3A_565, %dma_start3A_576] : memref<4096x200xi32, #tpu.memory_space<hbm>> -> memref<1x200xi32, #tpu.memory_space<hbm>>
        %dma_start3A_578 = tpu.memref_squeeze %dma_start3A_577 : memref<1x200xi32, #tpu.memory_space<hbm>> -> memref<200xi32, #tpu.memory_space<hbm>>
        tpu.enqueue_dma source(%dma_start3A_578 : memref<200xi32, #tpu.memory_space<hbm>>) target(%dma_start3A_575 : memref<200xi32, #tpu.memory_space<vmem>>) target_semaphore(%arg15 : memref<!tpu.dma_semaphore, #tpu.memory_space<semaphore_mem>>)
      } else {
      }
    }
    %scan3A_227 = arith.constant 64 : i32
    %scan3A_228 = arith.constant 0 : i32
    %scan3A_229 = arith.constant 0 : i32
    %scan3A_230 = arith.constant 25 : i32
    %scan3A_231 = arith.addi %scan3A_229, %scan3A_230 : i32
    %scan3A_232 = arith.constant 1 : i32
    scf.for %scan3A_234 = %scan3A_229 to %scan3A_231 step %scan3A_232  : i32 {
      %jit3A = arith.constant 8 : i32
      %div3A = arith.divsi %mul3A_2, %jit3A : i32
      %sign3A = arith.constant 0 : i32
      %sign3A_235 = arith.cmpi sgt, %mul3A_2, %sign3A : i32
      %sign3A_236 = arith.extui %sign3A_235 : i1 to i32
      %sign3A_237 = arith.constant 0 : i32
      %sign3A_238 = arith.cmpi slt, %mul3A_2, %sign3A_237 : i32
      %sign3A_239 = arith.extui %sign3A_238 : i1 to i32
      %sign3A_240 = arith.subi %sign3A_236, %sign3A_239 : i32
      %sign3A_241 = arith.constant 0 : i32
      %sign3A_242 = arith.cmpi sgt, %jit3A, %sign3A_241 : i32
      %sign3A_243 = arith.extui %sign3A_242 : i1 to i32
      %sign3A_244 = arith.constant 0 : i32
      %sign3A_245 = arith.cmpi slt, %jit3A, %sign3A_244 : i32
      %sign3A_246 = arith.extui %sign3A_245 : i1 to i32
      %sign3A_247 = arith.subi %sign3A_243, %sign3A_246 : i32
      %ne3A = arith.cmpi ne, %sign3A_240, %sign3A_247 : i32
      %rem3A = arith.remsi %mul3A_2, %jit3A : i32
      %ne3A_248 = arith.constant 0 : i32
      %ne3A_249 = arith.cmpi ne, %rem3A, %ne3A_248 : i32
      %and3A = arith.andi %ne3A, %ne3A_249 : i1
      %sub3A = arith.constant 1 : i32
      %sub3A_250 = arith.subi %div3A, %sub3A : i32
      %select_n3A = arith.select %and3A, %sub3A_250, %div3A : i32
      %dma_wait3A_251 = arith.constant 0 : i32
      %dma_wait3A_252 = arith.constant 0 : i32
      %dma_wait3A_253 = arith.constant 0 : i32
      %dma_wait3A_254 = arith.constant 0 : i32
      %dma_wait3A_255 = tpu.memref_slice %arg14[%dma_wait3A_251, %dma_wait3A_253, %dma_wait3A_254] : memref<4x200x64xf32, #tpu.memory_space<vmem>> -> memref<1x8x64xf32, #tpu.memory_space<vmem>>
      %dma_wait3A_256 = tpu.memref_squeeze %dma_wait3A_255 : memref<1x8x64xf32, #tpu.memory_space<vmem>> -> memref<8x64xf32, #tpu.memory_space<vmem>>
      %dma_wait3A_257 = arith.constant 0 : i32
      %dma_wait3A_258 = arith.constant 0 : i32
      %dma_wait3A_259 = tpu.memref_slice %arg10[%select_n3A, %dma_wait3A_252, %dma_wait3A_257, %dma_wait3A_258] : memref<102400x2x8x128xf32, #tpu.memory_space<hbm>> -> memref<1x1x8x64xf32, #tpu.memory_space<hbm>>
      %dma_wait3A_260 = tpu.memref_squeeze %dma_wait3A_259 : memref<1x1x8x64xf32, #tpu.memory_space<hbm>> -> memref<8x64xf32, #tpu.memory_space<hbm>>
      %dma_wait3A_261 = arith.constant 0 : i32
      %dma_wait3A_262 = arith.constant 0 : i32
      %dma_wait3A_263 = tpu.memref_slice %arg10[%select_n3A, %dma_wait3A_252, %dma_wait3A_261, %dma_wait3A_262] : memref<102400x2x8x128xf32, #tpu.memory_space<hbm>> -> memref<1x1x8x64xf32, #tpu.memory_space<hbm>>
      %dma_wait3A_264 = tpu.memref_squeeze %dma_wait3A_263 : memref<1x1x8x64xf32, #tpu.memory_space<hbm>> -> memref<8x64xf32, #tpu.memory_space<hbm>>
      %dma_wait3A_265 = arith.constant 0 : i32
      %dma_wait3A_266 = arith.constant 0 : i32
      %dma_wait3A_267 = tpu.memref_slice %arg14[%dma_wait3A_251, %dma_wait3A_265, %dma_wait3A_266] : memref<4x200x64xf32, #tpu.memory_space<vmem>> -> memref<1x8x64xf32, #tpu.memory_space<vmem>>
      %dma_wait3A_268 = tpu.memref_squeeze %dma_wait3A_267 : memref<1x8x64xf32, #tpu.memory_space<vmem>> -> memref<8x64xf32, #tpu.memory_space<vmem>>
      tpu.wait_dma2 semaphore(%arg18 : memref<!tpu.dma_semaphore, #tpu.memory_space<semaphore_mem>>) src(%dma_wait3A_268 : memref<8x64xf32, #tpu.memory_space<vmem>>) dst(%dma_wait3A_264 : memref<8x64xf32, #tpu.memory_space<hbm>>)
      %jit3A_269 = arith.constant 8 : i32
      %div3A_270 = arith.divsi %mul3A_2, %jit3A_269 : i32
      %sign3A_271 = arith.constant 0 : i32
      %sign3A_272 = arith.cmpi sgt, %mul3A_2, %sign3A_271 : i32
      %sign3A_273 = arith.extui %sign3A_272 : i1 to i32
      %sign3A_274 = arith.constant 0 : i32
      %sign3A_275 = arith.cmpi slt, %mul3A_2, %sign3A_274 : i32
      %sign3A_276 = arith.extui %sign3A_275 : i1 to i32
      %sign3A_277 = arith.subi %sign3A_273, %sign3A_276 : i32
      %sign3A_278 = arith.constant 0 : i32
      %sign3A_279 = arith.cmpi sgt, %jit3A_269, %sign3A_278 : i32
      %sign3A_280 = arith.extui %sign3A_279 : i1 to i32
      %sign3A_281 = arith.constant 0 : i32
      %sign3A_282 = arith.cmpi slt, %jit3A_269, %sign3A_281 : i32
      %sign3A_283 = arith.extui %sign3A_282 : i1 to i32
      %sign3A_284 = arith.subi %sign3A_280, %sign3A_283 : i32
      %ne3A_285 = arith.cmpi ne, %sign3A_277, %sign3A_284 : i32
      %rem3A_286 = arith.remsi %mul3A_2, %jit3A_269 : i32
      %ne3A_287 = arith.constant 0 : i32
      %ne3A_288 = arith.cmpi ne, %rem3A_286, %ne3A_287 : i32
      %and3A_289 = arith.andi %ne3A_285, %ne3A_288 : i1
      %sub3A_290 = arith.constant 1 : i32
      %sub3A_291 = arith.subi %div3A_270, %sub3A_290 : i32
      %select_n3A_292 = arith.select %and3A_289, %sub3A_291, %div3A_270 : i32
      %dma_wait3A_293 = arith.constant 1 : i32
      %dma_wait3A_294 = arith.constant 0 : i32
      %dma_wait3A_295 = arith.constant 0 : i32
      %dma_wait3A_296 = arith.constant 0 : i32
      %dma_wait3A_297 = tpu.memref_slice %arg14[%dma_wait3A_293, %dma_wait3A_295, %dma_wait3A_296] : memref<4x200x64xf32, #tpu.memory_space<vmem>> -> memref<1x8x64xf32, #tpu.memory_space<vmem>>
      %dma_wait3A_298 = tpu.memref_squeeze %dma_wait3A_297 : memref<1x8x64xf32, #tpu.memory_space<vmem>> -> memref<8x64xf32, #tpu.memory_space<vmem>>
      %dma_wait3A_299 = arith.constant 0 : i32
      %dma_wait3A_300 = arith.constant 64 : i32
      %dma_wait3A_301 = tpu.memref_slice %arg10[%select_n3A_292, %dma_wait3A_294, %dma_wait3A_299, %dma_wait3A_300] : memref<102400x2x8x128xf32, #tpu.memory_space<hbm>> -> memref<1x1x8x64xf32, #tpu.memory_space<hbm>>
      %dma_wait3A_302 = tpu.memref_squeeze %dma_wait3A_301 : memref<1x1x8x64xf32, #tpu.memory_space<hbm>> -> memref<8x64xf32, #tpu.memory_space<hbm>>
      %dma_wait3A_303 = arith.constant 0 : i32
      %dma_wait3A_304 = arith.constant 64 : i32
      %dma_wait3A_305 = tpu.memref_slice %arg10[%select_n3A_292, %dma_wait3A_294, %dma_wait3A_303, %dma_wait3A_304] : memref<102400x2x8x128xf32, #tpu.memory_space<hbm>> -> memref<1x1x8x64xf32, #tpu.memory_space<hbm>>
      %dma_wait3A_306 = tpu.memref_squeeze %dma_wait3A_305 : memref<1x1x8x64xf32, #tpu.memory_space<hbm>> -> memref<8x64xf32, #tpu.memory_space<hbm>>
      %dma_wait3A_307 = arith.constant 0 : i32
      %dma_wait3A_308 = arith.constant 0 : i32
      %dma_wait3A_309 = tpu.memref_slice %arg14[%dma_wait3A_293, %dma_wait3A_307, %dma_wait3A_308] : memref<4x200x64xf32, #tpu.memory_space<vmem>> -> memref<1x8x64xf32, #tpu.memory_space<vmem>>
      %dma_wait3A_310 = tpu.memref_squeeze %dma_wait3A_309 : memref<1x8x64xf32, #tpu.memory_space<vmem>> -> memref<8x64xf32, #tpu.memory_space<vmem>>
      tpu.wait_dma2 semaphore(%arg18 : memref<!tpu.dma_semaphore, #tpu.memory_space<semaphore_mem>>) src(%dma_wait3A_310 : memref<8x64xf32, #tpu.memory_space<vmem>>) dst(%dma_wait3A_306 : memref<8x64xf32, #tpu.memory_space<hbm>>)
      %jit3A_311 = arith.constant 8 : i32
      %div3A_312 = arith.divsi %mul3A_2, %jit3A_311 : i32
      %sign3A_313 = arith.constant 0 : i32
      %sign3A_314 = arith.cmpi sgt, %mul3A_2, %sign3A_313 : i32
      %sign3A_315 = arith.extui %sign3A_314 : i1 to i32
      %sign3A_316 = arith.constant 0 : i32
      %sign3A_317 = arith.cmpi slt, %mul3A_2, %sign3A_316 : i32
      %sign3A_318 = arith.extui %sign3A_317 : i1 to i32
      %sign3A_319 = arith.subi %sign3A_315, %sign3A_318 : i32
      %sign3A_320 = arith.constant 0 : i32
      %sign3A_321 = arith.cmpi sgt, %jit3A_311, %sign3A_320 : i32
      %sign3A_322 = arith.extui %sign3A_321 : i1 to i32
      %sign3A_323 = arith.constant 0 : i32
      %sign3A_324 = arith.cmpi slt, %jit3A_311, %sign3A_323 : i32
      %sign3A_325 = arith.extui %sign3A_324 : i1 to i32
      %sign3A_326 = arith.subi %sign3A_322, %sign3A_325 : i32
      %ne3A_327 = arith.cmpi ne, %sign3A_319, %sign3A_326 : i32
      %rem3A_328 = arith.remsi %mul3A_2, %jit3A_311 : i32
      %ne3A_329 = arith.constant 0 : i32
      %ne3A_330 = arith.cmpi ne, %rem3A_328, %ne3A_329 : i32
      %and3A_331 = arith.andi %ne3A_327, %ne3A_330 : i1
      %sub3A_332 = arith.constant 1 : i32
      %sub3A_333 = arith.subi %div3A_312, %sub3A_332 : i32
      %select_n3A_334 = arith.select %and3A_331, %sub3A_333, %div3A_312 : i32
      %dma_wait3A_335 = arith.constant 2 : i32
      %dma_wait3A_336 = arith.constant 1 : i32
      %dma_wait3A_337 = arith.constant 0 : i32
      %dma_wait3A_338 = arith.constant 0 : i32
      %dma_wait3A_339 = tpu.memref_slice %arg14[%dma_wait3A_335, %dma_wait3A_337, %dma_wait3A_338] : memref<4x200x64xf32, #tpu.memory_space<vmem>> -> memref<1x8x64xf32, #tpu.memory_space<vmem>>
      %dma_wait3A_340 = tpu.memref_squeeze %dma_wait3A_339 : memref<1x8x64xf32, #tpu.memory_space<vmem>> -> memref<8x64xf32, #tpu.memory_space<vmem>>
      %dma_wait3A_341 = arith.constant 0 : i32
      %dma_wait3A_342 = arith.constant 0 : i32
      %dma_wait3A_343 = tpu.memref_slice %arg10[%select_n3A_334, %dma_wait3A_336, %dma_wait3A_341, %dma_wait3A_342] : memref<102400x2x8x128xf32, #tpu.memory_space<hbm>> -> memref<1x1x8x64xf32, #tpu.memory_space<hbm>>
      %dma_wait3A_344 = tpu.memref_squeeze %dma_wait3A_343 : memref<1x1x8x64xf32, #tpu.memory_space<hbm>> -> memref<8x64xf32, #tpu.memory_space<hbm>>
      %dma_wait3A_345 = arith.constant 0 : i32
      %dma_wait3A_346 = arith.constant 0 : i32
      %dma_wait3A_347 = tpu.memref_slice %arg10[%select_n3A_334, %dma_wait3A_336, %dma_wait3A_345, %dma_wait3A_346] : memref<102400x2x8x128xf32, #tpu.memory_space<hbm>> -> memref<1x1x8x64xf32, #tpu.memory_space<hbm>>
      %dma_wait3A_348 = tpu.memref_squeeze %dma_wait3A_347 : memref<1x1x8x64xf32, #tpu.memory_space<hbm>> -> memref<8x64xf32, #tpu.memory_space<hbm>>
      %dma_wait3A_349 = arith.constant 0 : i32
      %dma_wait3A_350 = arith.constant 0 : i32
      %dma_wait3A_351 = tpu.memref_slice %arg14[%dma_wait3A_335, %dma_wait3A_349, %dma_wait3A_350] : memref<4x200x64xf32, #tpu.memory_space<vmem>> -> memref<1x8x64xf32, #tpu.memory_space<vmem>>
      %dma_wait3A_352 = tpu.memref_squeeze %dma_wait3A_351 : memref<1x8x64xf32, #tpu.memory_space<vmem>> -> memref<8x64xf32, #tpu.memory_space<vmem>>
      tpu.wait_dma2 semaphore(%arg18 : memref<!tpu.dma_semaphore, #tpu.memory_space<semaphore_mem>>) src(%dma_wait3A_352 : memref<8x64xf32, #tpu.memory_space<vmem>>) dst(%dma_wait3A_348 : memref<8x64xf32, #tpu.memory_space<hbm>>)
      %jit3A_353 = arith.constant 8 : i32
      %div3A_354 = arith.divsi %mul3A_2, %jit3A_353 : i32
      %sign3A_355 = arith.constant 0 : i32
      %sign3A_356 = arith.cmpi sgt, %mul3A_2, %sign3A_355 : i32
      %sign3A_357 = arith.extui %sign3A_356 : i1 to i32
      %sign3A_358 = arith.constant 0 : i32
      %sign3A_359 = arith.cmpi slt, %mul3A_2, %sign3A_358 : i32
      %sign3A_360 = arith.extui %sign3A_359 : i1 to i32
      %sign3A_361 = arith.subi %sign3A_357, %sign3A_360 : i32
      %sign3A_362 = arith.constant 0 : i32
      %sign3A_363 = arith.cmpi sgt, %jit3A_353, %sign3A_362 : i32
      %sign3A_364 = arith.extui %sign3A_363 : i1 to i32
      %sign3A_365 = arith.constant 0 : i32
      %sign3A_366 = arith.cmpi slt, %jit3A_353, %sign3A_365 : i32
      %sign3A_367 = arith.extui %sign3A_366 : i1 to i32
      %sign3A_368 = arith.subi %sign3A_364, %sign3A_367 : i32
      %ne3A_369 = arith.cmpi ne, %sign3A_361, %sign3A_368 : i32
      %rem3A_370 = arith.remsi %mul3A_2, %jit3A_353 : i32
      %ne3A_371 = arith.constant 0 : i32
      %ne3A_372 = arith.cmpi ne, %rem3A_370, %ne3A_371 : i32
      %and3A_373 = arith.andi %ne3A_369, %ne3A_372 : i1
      %sub3A_374 = arith.constant 1 : i32
      %sub3A_375 = arith.subi %div3A_354, %sub3A_374 : i32
      %select_n3A_376 = arith.select %and3A_373, %sub3A_375, %div3A_354 : i32
      %dma_wait3A_377 = arith.constant 3 : i32
      %dma_wait3A_378 = arith.constant 1 : i32
      %dma_wait3A_379 = arith.constant 0 : i32
      %dma_wait3A_380 = arith.constant 0 : i32
      %dma_wait3A_381 = tpu.memref_slice %arg14[%dma_wait3A_377, %dma_wait3A_379, %dma_wait3A_380] : memref<4x200x64xf32, #tpu.memory_space<vmem>> -> memref<1x8x64xf32, #tpu.memory_space<vmem>>
      %dma_wait3A_382 = tpu.memref_squeeze %dma_wait3A_381 : memref<1x8x64xf32, #tpu.memory_space<vmem>> -> memref<8x64xf32, #tpu.memory_space<vmem>>
      %dma_wait3A_383 = arith.constant 0 : i32
      %dma_wait3A_384 = arith.constant 64 : i32
      %dma_wait3A_385 = tpu.memref_slice %arg10[%select_n3A_376, %dma_wait3A_378, %dma_wait3A_383, %dma_wait3A_384] : memref<102400x2x8x128xf32, #tpu.memory_space<hbm>> -> memref<1x1x8x64xf32, #tpu.memory_space<hbm>>
      %dma_wait3A_386 = tpu.memref_squeeze %dma_wait3A_385 : memref<1x1x8x64xf32, #tpu.memory_space<hbm>> -> memref<8x64xf32, #tpu.memory_space<hbm>>
      %dma_wait3A_387 = arith.constant 0 : i32
      %dma_wait3A_388 = arith.constant 64 : i32
      %dma_wait3A_389 = tpu.memref_slice %arg10[%select_n3A_376, %dma_wait3A_378, %dma_wait3A_387, %dma_wait3A_388] : memref<102400x2x8x128xf32, #tpu.memory_space<hbm>> -> memref<1x1x8x64xf32, #tpu.memory_space<hbm>>
      %dma_wait3A_390 = tpu.memref_squeeze %dma_wait3A_389 : memref<1x1x8x64xf32, #tpu.memory_space<hbm>> -> memref<8x64xf32, #tpu.memory_space<hbm>>
      %dma_wait3A_391 = arith.constant 0 : i32
      %dma_wait3A_392 = arith.constant 0 : i32
      %dma_wait3A_393 = tpu.memref_slice %arg14[%dma_wait3A_377, %dma_wait3A_391, %dma_wait3A_392] : memref<4x200x64xf32, #tpu.memory_space<vmem>> -> memref<1x8x64xf32, #tpu.memory_space<vmem>>
      %dma_wait3A_394 = tpu.memref_squeeze %dma_wait3A_393 : memref<1x8x64xf32, #tpu.memory_space<vmem>> -> memref<8x64xf32, #tpu.memory_space<vmem>>
      tpu.wait_dma2 semaphore(%arg18 : memref<!tpu.dma_semaphore, #tpu.memory_space<semaphore_mem>>) src(%dma_wait3A_394 : memref<8x64xf32, #tpu.memory_space<vmem>>) dst(%dma_wait3A_390 : memref<8x64xf32, #tpu.memory_space<hbm>>)
    }
    %scan3A_233 = arith.constant 25 : i32
    return
  }
}

</mosaic_0001>

<sc_bundles>
// kernel: kernel.3.cloned.1.call-start
scs
__scs_entry_jumppad:
0x0: {  	(pc) =	sbr.rel $0x88, $3  }
0x1: {  	(tag) =	ssettag $0x0;
	lr =	simm.s32 $0x1  }
0x2: {  	[smem:$0x3F99] =	sst lr;
	_ =	strace $0xD0000000  }
0x3: {  	_ = 	snop  }
0x4: {  	_ = 	snop  }
0x5: {  	_ = 	snop  }
0x6: {  	_ = 	snop  }
0x7: {  	_ = 	snop  }
__scs_overlays_trampoline_lowered:
0x8: {  	[smem:$0x3FA8] =	sst s0  }
0x9: {  	[smem:$0x3FA9] =	sst s1  }
0xa: {  	[smem:$0x3FAA] =	sst s2  }
0xb: {  	[smem:$0x3FAB] =	sst s3  }
0xc: {  	[smem:$0x3FAC] =	sst s4  }
0xd: {  	[smem:$0x3FAD] =	sst s5  }
0xe: {  	[smem:$0x3FAE] =	sst s6  }
0xf: {  	[smem:$0x3FAF] =	sst s7  }
0x10: {  	[smem:$0x3FB0] =	sst s8  }
0x11: {  	[smem:$0x3FB1] =	sst s9;
	s0 =	simm.s32 @!p0 $0x0  }
0x12: {  	s1 =	sld [smem:$0x3F97];
	s0 =	simm.s32 @p0 $0x1  }
0x13: {  	[smem:$0x3FB2] =	sst s0;
	s0 =	simm.s32 @!p1 $0x0  }
0x14: {  	s2 =	sld [smem:$0x3F96];
	s0 =	simm.s32 @p1 $0x1  }
0x15: {  	[smem:$0x3FB3] =	sst s0;
	s0 =	simm.s32 @!p2 $0x0  }
0x16: {  	s3 =	sld [smem:$0x3FDB];
	s0 =	simm.s32 @p2 $0x1  }
0x17: {  	s4 =	simm.s32 $0x1BF5;
	[smem:$0x3FB5] =	sst s0  }
0x18: {  	s0 =	sld [smem:$0x3F98];
	_ =	swait.ge [sflag:s4], $0x0  }
0x19: {  	s7 =	sld [smem:$0x3F99]  }
0x1a: {  	s8 =	sadd.s32 $0xFFFFE003, lr  }
0x1b: {  	s9 =	sadd.s32 $0xFFFFFEF7, lr;
	s5 =	simm.s32 $0xFFFFFFFF;
	p2 =	slt.u32 s8, $0xFFFFF086  }
0x1c: {  	p1 =	slt.u32 s9, $0xF7A;
	s5 =	simm.s32 @!p2 $0x0  }
0x1d: {  	s5 =	simm.s32 @p1 $0x1;
	p0 =	seq.s32 s7, s2  }
0x1e: {  	s7 =	smul.u32 @!p0 $0xF7A, s2;
	p2 =	seq.s32 @!p0 s5, $0x0  }
0x1f: {  	s9 =	smul.u32 $0xF7A, s1;
	s8 =	simm.s32 @!p0 $0x1BF5;
	p2 =	por !p2, p0  }
0x20: {  	[sflag:s8] =	ssyncset.s32 @!p0 $0xFFFFF086;
	s6 =	sadd.s32 @!p0 s3, s7;
	s7 =	simm.s32 @!p0 $0x108  }
0x21: {  	s3 =	sadd.s32 s3, s9;
	s6 =	sadd.s32 @!p0 $0x88, s6;
	s7 =	simm.s32 @p2 $0x1082  }
0x22: {  	[simem:s7], [sflag:s8] =	dma.local @!p0 [hbm:s6], $0xF7A  }
0x23: {  	s9 =	sor.u32 $0xD0000000, s2;
	s6 =	simm.s32 $0x108;
	_ =	swait.ge @!p0 [sflag:s8], $0x0  }
0x24: {  	s3 =	sadd.s32 $0x88, s3;
	s6 =	simm.s32 @!p1 $0x1082;
	[sflag:s4] =	ssyncset.s32 $0xFFFFF086  }
0x25: {  	[simem:s6], [sflag:s4] =	dma.local [hbm:s3], $0xF7A  }
0x26: {  	[smem:$0x3F99] =	sst s1;
	(tag) =	ssettag s2;
	_ =	strace s9  }
0x27: {  	s1 =	sld [smem:$0x3FA9]  }
0x28: {  	s2 =	sld [smem:$0x3FAA]  }
0x29: {  	s4 =	sld [smem:$0x3FAC]  }
0x2a: {  	p0 =	seq.s32 s5, $0x0;
	s5 =	sld [smem:$0x3FAD]  }
0x2b: {  	s6 =	sld [smem:$0x3FAE]  }
0x2c: {  	s7 =	sld [smem:$0x3FAF]  }
0x2d: {  	s3 =	simm.s32 $0x108;
	s8 =	sld [smem:$0x3FB0]  }
0x2e: {  	s3 =	simm.s32 @!p0 $0x1082;
	s9 =	sld [smem:$0x3FB1]  }
0x2f: {  	lr =	sadd.s32 s0, s3;
	s0 =	sld [smem:$0x3FA8]  }
0x30: {  	s3 =	sld [smem:$0x3FAB]  }
0x31: {  	[smem:$0x3FB4] =	sst s10  }
0x32: {  	s10 =	sld [smem:$0x3FB2];
	_ =	sdelay $0x3  }
0x33: {  	p0 =	seq.s32 s10, $0x1;
	s10 =	sld [smem:$0x3FB4];
	_ =	sdelay $0x3  }
0x34: {  	[smem:$0x3FB4] =	sst s10  }
0x35: {  	s10 =	sld [smem:$0x3FB3];
	_ =	sdelay $0x3  }
0x36: {  	p1 =	seq.s32 s10, $0x1;
	s10 =	sld [smem:$0x3FB4];
	_ =	sdelay $0x3  }
0x37: {  	[smem:$0x3FB4] =	sst s10  }
0x38: {  	s10 =	sld [smem:$0x3FB5]  }
0x39: {  	_ = 	snop;
	(pc) =	sbr.ind lr, $3  }
0x3a: {  	_ = 	snop  }
0x3b: {  	_ = 	snop  }
0x3c: {  	p2 =	seq.s32 s10, $0x1;
	s10 =	sld [smem:$0x3FB4]  }
0x3d: {  	_ =	shalt  }
0x3e: {  	_ =	shalt  }
0x3f: {  	_ =	shalt  }
0x40: {  	_ =	shalt  }
0x41: {  	_ =	shalt  }
0x42: {  	_ =	shalt  }
0x43: {  	_ =	shalt  }
0x44: {  	_ =	shalt  }
0x45: {  	_ =	shalt  }
0x46: {  	_ =	shalt  }
0x47: {  	_ =	shalt  }
0x48: {  	_ =	shalt  }
0x49: {  	_ =	shalt  }
0x4a: {  	_ =	shalt  }
0x4b: {  	_ =	shalt  }
0x4c: {  	_ =	shalt  }
0x4d: {  	_ =	shalt  }
0x4e: {  	_ =	shalt  }
0x4f: {  	_ =	shalt  }
0x50: {  	_ =	shalt  }
0x51: {  	_ =	shalt  }
0x52: {  	_ =	shalt  }
0x53: {  	_ =	shalt  }
0x54: {  	_ =	shalt  }
0x55: {  	_ =	shalt  }
0x56: {  	_ =	shalt  }
0x57: {  	_ =	shalt  }
0x58: {  	_ =	shalt  }
0x59: {  	_ =	shalt  }
0x5a: {  	_ =	shalt  }
0x5b: {  	_ =	shalt  }
0x5c: {  	_ =	shalt  }
0x5d: {  	_ =	shalt  }
0x5e: {  	_ =	shalt  }
0x5f: {  	_ =	shalt  }
0x60: {  	_ =	shalt  }
0x61: {  	_ =	shalt  }
0x62: {  	_ =	shalt  }
0x63: {  	_ =	shalt  }
0x64: {  	_ =	shalt  }
0x65: {  	_ =	shalt  }
0x66: {  	_ =	shalt  }
0x67: {  	_ =	shalt  }
0x68: {  	_ =	shalt  }
0x69: {  	_ =	shalt  }
0x6a: {  	_ =	shalt  }
0x6b: {  	_ =	shalt  }
0x6c: {  	_ =	shalt  }
0x6d: {  	_ =	shalt  }
0x6e: {  	_ =	shalt  }
0x6f: {  	_ =	shalt  }
0x70: {  	_ =	shalt  }
0x71: {  	_ =	shalt  }
0x72: {  	_ =	shalt  }
0x73: {  	_ =	shalt  }
0x74: {  	_ =	shalt  }
0x75: {  	_ =	shalt  }
0x76: {  	_ =	shalt  }
0x77: {  	_ =	shalt  }
0x78: {  	_ =	shalt  }
0x79: {  	_ =	shalt  }
0x7a: {  	_ =	shalt  }
0x7b: {  	_ =	shalt  }
0x7c: {  	_ =	shalt  }
0x7d: {  	_ =	shalt  }
0x7e: {  	_ =	shalt  }
0x7f: {  	_ =	shalt  }
0x80: {  	_ =	shalt  }
0x81: {  	_ =	shalt  }
0x82: {  	_ =	shalt  }
0x83: {  	_ =	shalt  }
0x84: {  	_ =	shalt  }
0x85: {  	_ =	shalt  }
0x86: {  	_ =	shalt  }
0x87: {  	_ =	shalt  }
.Lfunc_end0:
.L_simem_size_0:
called_computation_lowered:
.L_overlay_start_0:
0x88: {  	s2 =	sld [smem:$0x3FD9]  }
0x89: {  	s3 =	sld [smem:$0x3FFE];
	_ =	sdelay $0x1  }
0x8a: {  	s1 =	srdreg.scid  }
0x8b: {  	s0 =	sand.u32 $0x1, s1  }
0x8c: {  	s17 =	sshll.u32 s0, $0xA;
	s2 =	sadd.s32 s3, s2  }
0x8d: {  	s2 =	sadd.s32 s2, s17  }
0x8e: {  	[smem:$0x3FC0] =	sst s2  }
0x8f: {  	_ = 	snop  }
0x90: {  	s2 =	sld [smem:$0x3FD0];
	(tm) =	ssettm $0x1  }
0x91: {  	s18 =	sld [smem:$0x3FFB];
	_ =	sdelay $0x3  }
0x92: {  	_ =	strace s18  }
0x93: {  	s3 =	sld [smem:$0x3FFC];
	_ =	sdelay $0x3  }
0x94: {  	_ =	strace s3  }
0x95: {  	s3 =	sld [smem:$0x3FFD];
	_ =	sdelay $0x3  }
0x96: {  	_ =	strace s3  }
0x97: {  	_ =	strace $0x8FFFFFFF  }
0x98: {  	s19 =	sld [smem:$0x3FDB];
	_ =	sdelay $0x1  }
0x99: {  	s4 =	simm.s32 $_scs_section_size  }
0x9a: {  	s5 =	simm.s32 $_size__tile_overlayer_lowered;
	s6 =	simm.s32 $_tile_overlayer_lowered  }
0x9b: {  	s22 =	simm.s32 $0x1BFF;
	s21 =	sshll.u32 s6, $0x1;
	s3 =	sadd.s32 s4, s19  }
0x9c: {  	s7 =	simm.s32 $0x0;
	s20 =	sshll.u32 s5, $0x1;
	s5 =	sadd.s32 s21, s3  }
0x9d: {  	[timem:s7], [sflag:s22] =	dma.local [hbm:s5], s20  }
0x9e: {  	_ =	swait.ge [sflag:s22], s20  }
0x9f: {  	s4 =	ssub.s32 $0x0, s20;
	[sflag:s22] =	ssyncset.done $0x0  }
0xa0: {  	[sflag:s22] =	ssyncadd.s32 s4;
	_ =	sdelay $0x1  }
0xa1: {  	s23 =	simm.s32 $0x1B8B  }
0xa2: {  	_ =	swait.ge [sflag:s23], $0x1  }
0xa3: {  	[sflag:s23] =	ssyncset.done $0x0  }
0xa4: {  	s25 =	simm.s32 $0x1B8E;
	s24 =	sld [smem:$0x3FFE];
	[sflag:s23] =	ssyncadd.s32 $0xFFFFFFFF  }
0xa5: {  	s26 =	simm.s32 $execute0_lowered;
	[smem:$0x3FD2] =	sst s25  }
0xa6: {  	s5 =	sshll.u32 s26, $0x1;
	_ =	strace $0x80000046;
	[dreg:$0x1] =	wrdreg $0xFFFFFFFF  }
0xa7: {  	s28 =	simm.s32 $_size_execute0_lowered;
	s3 =	sadd.s32 s3, s5;
	[dreg:$0x0] =	wrdreg $0x0  }
0xa8: {  	s5 =	sshll.u32 s28, $0x1;
	[dreg:$0x2] =	wrdreg s3  }
0xa9: {  	[dreg:$0x3] =	wrdreg s5  }
0xaa: {  	[dreg:$0x4] =	wrdreg $0xC0  }
0xab: {  	_ =	task [dreg:s7], $0x5FFFF  }
0xac: {  	[dreg:$0x1] =	wrdreg $0xFFFFFFFF  }
0xad: {  	[dreg:$0x0] =	wrdreg $0x60  }
0xae: {  	[dreg:$0x2] =	wrdreg s24  }
0xaf: {  	[dreg:$0x3] =	wrdreg s2  }
0xb0: {  	[dreg:$0x4] =	wrdreg $0x9  }
0xb1: {  	_ =	task.clear_ibuf [dreg:s7], $0x5FFFF;
	_ =	strace $0x90000046  }
0xb2: {  	s29 =	simm.s32 $0x9;
	_ =	strace $0x80000048  }
0xb3: {  	_ =	swait.ge [sflag:s29], $0x1  }
0xb4: {  	[sflag:s29] =	ssyncadd.s32 $0xFFFFFFFF  }
0xb5: {  	_ =	strace $0x90000048  }
0xb6: {  	_ =	sfence  }
0xb7: {  	s30 =	sld [smem:$0x0];
	_ =	sdelay $0x2  }
0xb8: {  	s31 =	sshll.u32 s1, $0xD;
	s1 =	sshrl.u32 s1, $0x2  }
0xb9: {  	s3 =	sand.u32 $0x4000, s31;
	s1 =	sadd.s32 s1, s30  }
0xba: {  	s0 =	sor.u32 s3, s0;
	s1 =	sshll.u32 s1, $0x11  }
0xbb: {  	s0 =	sor.u32 s1, s0  }
0xbc: {  	s0 =	sadd.s32 $0x8F2B, s0  }
0xbd: {  	[sflag:s0] =	ssyncadd.remote.s32 $0x1  }
0xbe: {  	_ =	sfence.sel $0xFFFF  }
0xbf: {  	[dreg:$0x0] =	wrdreg $0xFFFFFFFF;
	(pc) =	sbr.abs _section_cstart, $3  }
0xc0: {  	[dreg:$0x1] =	wrdreg $0xFFFFFFFF  }
0xc1: {  	_ =	task.clear_ibuf [dreg:s7], $0x2FFFF;
	_ =	strace $0x9FFFFFFF  }
0xc2: {  	(tm) =	ssettm $0x7FFFFFFF  }
0xc3: {  	_ =	shalt  }
tec
execute0_lowered:
.L_overlay_start_1:
0x0: {  	(tag) =	ssettag $0x1  }
0x1: {  	s0 =	rddreg [dreg:$0x0]  }
0x2: {  	s2 =	rddreg [dreg:$0x1]  }
0x3: {  	s1 =	simm.s32 $0x0;
	s7 =	srdreg.scid;
	s28 =	simm.s32 $0x320  }
0x4: {  	s29 =	simm.s32 $0x3E8;
	s30 =	simm.s32 $0x4B0;
	s31 =	simm.s32 $0x578  }
0x5: {  	[smem:$0x7FF] =	sst s1;
	s3 =	sadd.s32 $0x68000, s0;
	s4 =	sadd.s32 $0x12B600, s0  }
0x6: {  	s16 =	stileid.u32;
	s5 =	sadd.s32 $0x1EEC00, s0;
	s6 =	sadd.s32 $0x2B2200, s0  }
0x7: {  	s11 =	sand.u32 $0x1, s7;
	s8 =	sshll.u32 s16, $0x1;
	s7 =	sadd.s32 $0x4000, s0  }
0x8: {  	s9 =	sadd.s32 $0x36000, s0;
	s10 =	sadd.s32 $0x4F000, s0;
	s18 =	smul.u32 $0xC800, s16  }
0x9: {  	s23 =	smul.u32 $0x190000, s16;
	s16 =	simm.s32 $0x80;
	s13 =	sor.u32 s11, s8  }
0xa: {  	_ =	strace $0x80000047;
	s12 =	ssub.s32 $0x2, s11;
	s15 =	smul.u32 $0xC80, s13  }
0xb: {  	s8 =	sadd.s32 $0x1D000, s0;
	s20 =	smul.u32 $0x6400, s11;
	s14 =	sshrl.u32 s12, $0x1  }
0xc: {  	s11 =	smul.u32 $0xC8000, s11;
	s0 =	ssub.s32 s12, s14;
	s24 =	sadd.s32 s7, s15  }
0xd: {  	s12 =	sshll.u32 s13, $0x7;
	s25 =	sadd.s32 s8, s15;
	[dreg:$0x3] =	wrdreg s24  }
0xe: {  	s22 =	sadd.s32 s20, s18;
	s26 =	sadd.s32 s9, s15;
	[dreg:$0x4] =	wrdreg s25  }
0xf: {  	s14 =	sor.u32 $0x19, s15;
	s15 =	sadd.s32 s10, s15;
	[dreg:$0x5] =	wrdreg s26  }
0x10: {  	s20 =	sor.u32 $0x3, s12;
	s0 =	smax.u32 s0, $0x1;
	[dreg:$0x6] =	wrdreg s15  }
0x11: {  	s19 =	sadd.s32 s7, s14;
	s17 =	sadd.s32 s8, s14;
	[dreg:$0xb] =	wrdreg s0  }
0x12: {  	s21 =	sadd.s32 s9, s14;
	s13 =	sadd.s32 s10, s14;
	[dreg:$0x7] =	wrdreg s19  }
0x13: {  	s24 =	sshll.u32 s22, $0x5;
	s25 =	sadd.s32 s23, s2;
	[dreg:$0x8] =	wrdreg s17  }
0x14: {  	s14 =	simm.s32 $0x2;
	s15 =	simm.s32 $0x40;
	[dreg:$0x9] =	wrdreg s21  }
0x15: {  	s23 =	simm.s32 $0x3;
	[dreg:$0xa] =	wrdreg s13;
	s19 =	sor.u32 $0x2, s12  }
0x16: {  	s2 =	sadd.s32 s24, s2;
	s0 =	sadd.s32 s11, s25;
	s24 =	simm.s32 $0xC8  }
0x17: {  	s12 =	simm.s32 $0x0;
	[dreg:$0xc] =	wrdreg s0;
	s26 =	sadd.s32 $0x1900, s2  }
0x18: {  	s0 =	simm.s32 $0x1;
	s2 =	simm.s32 $0x4;
	[dreg:$0xd] =	wrdreg s26  }
.LBB2_1:
0x19: {  	[dreg:$0xe] =	wrdreg s12  }
0x1a: {  	s11 =	rddreg [dreg:$0x3]  }
0x1b: {  	[tilespmem:s1], [sflag:$0x1] =	stream.linear.gather [hbm4b:s11+s1], $0xC8, $0x38;
	[tilespmem:$0x19640] =	vst v63  }
0x1c: {  	s18 =	rddreg [dreg:$0x4]  }
0x1d: {  	[tilespmem:s24], [sflag:$0x1] =	stream.linear.gather [hbm4b:s18+s1], $0xC8, $0x38;
	[tilespmem:$0x19640] =	vst v63  }
0x1e: {  	s21 =	rddreg [dreg:$0x5];
	s12 =	simm.s32 $0x190  }
0x1f: {  	[tilespmem:s12], [sflag:$0x1] =	stream.linear.gather [hbm4b:s21+s1], $0xC8, $0x38;
	[tilespmem:$0x19640] =	vst v63  }
0x20: {  	s22 =	rddreg [dreg:$0x6];
	s13 =	simm.s32 $0x258  }
0x21: {  	[tilespmem:s13], [sflag:$0x1] =	stream.linear.gather [hbm4b:s22+s1], $0xC8, $0x38;
	[tilespmem:$0x19640] =	vst v63  }
0x22: {  	s25 =	rddreg [dreg:$0x7]  }
0x23: {  	[tilespmem:s28], [sflag:$0x1] =	stream.linear.gather [hbm4b:s25+s1], $0xC8, $0x38;
	[tilespmem:$0x19640] =	vst v63  }
0x24: {  	s26 =	rddreg [dreg:$0x8]  }
0x25: {  	[tilespmem:s29], [sflag:$0x1] =	stream.linear.gather [hbm4b:s26+s1], $0xC8, $0x38;
	[tilespmem:$0x19640] =	vst v63  }
0x26: {  	s17 =	rddreg [dreg:$0x9]  }
0x27: {  	[tilespmem:s30], [sflag:$0x1] =	stream.linear.gather [hbm4b:s17+s1], $0xC8, $0x38;
	[tilespmem:$0x19640] =	vst v63  }
0x28: {  	s18 =	rddreg [dreg:$0xa]  }
0x29: {  	[tilespmem:s31], [sflag:$0x1] =	stream.linear.gather [hbm4b:s18+s1], $0xC8, $0x38;
	[tilespmem:$0x19640] =	vst v63  }
0x2a: {  	_ =	swait.ge [sflag:s0], $0xC8  }
0x2b: {  	[sflag:s0] =	ssyncset.done $0x0  }
0x2c: {  	[sflag:s0] =	ssyncadd.s32 $0xFFFFFF38  }
0x2d: {  	_ =	swait.ge [sflag:s0], $0xC8  }
0x2e: {  	[sflag:s0] =	ssyncset.done $0x0  }
0x2f: {  	[sflag:s0] =	ssyncadd.s32 $0xFFFFFF38  }
0x30: {  	_ =	swait.ge [sflag:s0], $0xC8  }
0x31: {  	[sflag:s0] =	ssyncset.done $0x0  }
0x32: {  	[sflag:s0] =	ssyncadd.s32 $0xFFFFFF38  }
0x33: {  	_ =	swait.ge [sflag:s0], $0xC8  }
0x34: {  	[sflag:s0] =	ssyncset.done $0x0  }
0x35: {  	s21 =	simm.s32 $0x640;
	[sflag:s0] =	ssyncadd.s32 $0xFFFFFF38  }
0x36: {  	[tilespmem:s21], [sflag:$0x2] =	stream.indirect.gather [hbm4b:s3+s24], $0x40, s1, s24, $0xb8;
	[tilespmem:$0x19640] =	vst v63  }
0x37: {  	s22 =	simm.s32 $0x3840  }
0x38: {  	[tilespmem:s22], [sflag:$0x2] =	stream.indirect.gather [hbm4b:s4+s24], $0x40, s24, s24, $0xb8;
	[tilespmem:$0x19640] =	vst v63  }
0x39: {  	s25 =	simm.s32 $0x6A40  }
0x3a: {  	[tilespmem:s25], [sflag:$0x2] =	stream.indirect.gather [hbm4b:s5+s24], $0x40, s12, s24, $0xb8;
	[tilespmem:$0x19640] =	vst v63  }
0x3b: {  	s26 =	simm.s32 $0x9C40;
	s11 =	rddreg [dreg:$0xd]  }
0x3c: {  	[tilespmem:s26], [sflag:$0x2] =	stream.indirect.gather [hbm4b:s6+s24], $0x40, s13, s24, $0xb8;
	[tilespmem:$0x19640] =	vst v63  }
0x3d: {  	s12 =	rddreg [dreg:$0xc];
	s13 =	simm.s32 $0x0  }
.LBB2_2:
0x3e: {  	_ =	swait.ge [sflag:s14], $0x3200  }
0x3f: {  	[sflag:s14] =	ssyncset.done $0x0  }
0x40: {  	[sflag:s14] =	ssyncadd.s32 $0xFFFFCE00  }
0x41: {  	_ =	swait.ge [sflag:s14], $0x3200  }
0x42: {  	[sflag:s14] =	ssyncset.done $0x0  }
0x43: {  	[sflag:s14] =	ssyncadd.s32 $0xFFFFCE00  }
0x44: {  	_ =	swait.ge [sflag:s14], $0x3200  }
0x45: {  	[sflag:s14] =	ssyncset.done $0x0  }
0x46: {  	[sflag:s14] =	ssyncadd.s32 $0xFFFFCE00  }
0x47: {  	_ =	swait.ge [sflag:s14], $0x3200  }
0x48: {  	[sflag:s14] =	ssyncset.done $0x0  }
0x49: {  	s17 =	simm.s32 $0x640;
	s18 =	sadd.s32 $0x0, s12;
	[sflag:s14] =	ssyncadd.s32 $0xFFFFCE00  }
0x4a: {  	[hbm4b:s18+s15] =	stream.strided.scatter [tilespmem:s17], [sflag:$0x3], $0x200, s16, s15, $0x38;
	[tilespmem:$0x19640] =	vst v63  }
0x4b: {  	s21 =	simm.s32 $0x3840;
	s22 =	sadd.s32 $0x8, s18  }
0x4c: {  	[hbm4b:s22+s15] =	stream.strided.scatter [tilespmem:s21], [sflag:$0x3], $0x200, s16, s15, $0x38;
	[tilespmem:$0x19640] =	vst v63  }
0x4d: {  	s26 =	simm.s32 $0x6A40;
	s25 =	sadd.s32 $0x80, s18;
	s17 =	sadd.s32 $0x88, s18  }
0x4e: {  	[hbm4b:s25+s15] =	stream.strided.scatter [tilespmem:s26], [sflag:$0x3], $0x200, s16, s15, $0x38;
	[tilespmem:$0x19640] =	vst v63  }
0x4f: {  	s18 =	simm.s32 $0x9C40;
	s25 =	simm.s32 $0x100;
	s26 =	simm.s32 $0x840  }
.LBB2_3:
0x50: {  	[hbm4b:s17+s15] =	stream.strided.scatter [tilespmem:s18], [sflag:$0x3], $0x200, s16, s15, $0x38;
	[tilespmem:$0x19640] =	vst v63  }
0x51: {  	s17 =	sadd.s32 s25, s12;
	p0 =	sne.s32 s25, $0x1800;
	s25 =	sadd.s32 $0x100, s25  }
0x52: {  	[hbm4b:s17+s15] =	stream.strided.scatter [tilespmem:s26], [sflag:$0x3], $0x200, s16, s15, $0x38;
	[tilespmem:$0x19640] =	vst v63  }
.Ltmp0:
0x53: {  	s21 =	sadd.s32 $0x3200, s26;
	s18 =	sadd.s32 $0x8, s17;
	(pc) =	sbr.rel @p0 .LBB2_3-.Ltmp0, $4  }
0x54: {  	[hbm4b:s18+s15] =	stream.strided.scatter [tilespmem:s21], [sflag:$0x3], $0x200, s16, s15, $0x38;
	[tilespmem:$0x19640] =	vst v63  }
0x55: {  	s18 =	sadd.s32 $0x80, s17;
	s21 =	sadd.s32 $0x6400, s26  }
0x56: {  	[hbm4b:s18+s15] =	stream.strided.scatter [tilespmem:s21], [sflag:$0x3], $0x200, s16, s15, $0x38;
	[tilespmem:$0x19640] =	vst v63  }
0x57: {  	s17 =	sadd.s32 $0x88, s17;
	s18 =	sadd.s32 $0x9600, s26;
	s26 =	sadd.s32 $0x200, s26  }
0x58: {  	p0 =	seq.s32 s13, $0x0  }
.Ltmp1:
0x59: {  	_ = 	snop;
	(pc) =	sbr.rel @p0 .LBB2_8-.Ltmp1, $3  }
0x5a: {  	_ =	sdelay $0x1  }
0x5b: {  	[hbm4b:s17+s15] =	stream.strided.scatter [tilespmem:s18], [sflag:$0x3], $0x200, s16, s15, $0x38;
	[tilespmem:$0x19640] =	vst v63  }
0x5c: {  	s17 =	simm.s32 $0x19  }
0x5d: {  	_ =	swait.ge [sflag:s2], $0x200  }
0x5e: {  	[sflag:s2] =	ssyncset.done $0x0  }
0x5f: {  	[sflag:s2] =	ssyncadd.s32 $0xFFFFFE00  }
0x60: {  	_ =	swait.ge [sflag:s2], $0x200  }
0x61: {  	[sflag:s2] =	ssyncset.done $0x0  }
0x62: {  	[sflag:s2] =	ssyncadd.s32 $0xFFFFFE00  }
0x63: {  	_ =	swait.ge [sflag:s2], $0x200  }
0x64: {  	[sflag:s2] =	ssyncset.done $0x0  }
0x65: {  	[sflag:s2] =	ssyncadd.s32 $0xFFFFFE00  }
0x66: {  	_ =	swait.ge [sflag:s2], $0x200  }
0x67: {  	s25 =	sadd.s32 $0xFFFFFFFF, s17;
	[sflag:s2] =	ssyncset.done $0x0  }
.LBB2_6:
0x68: {  	p0 =	sne.s32 s25, $0x1;
	s25 =	sadd.s32 $0xFFFFFFFF, s25;
	[sflag:s2] =	ssyncadd.s32 $0xFFFFFE00  }
0x69: {  	_ =	swait.ge [sflag:s2], $0x200  }
0x6a: {  	[sflag:s2] =	ssyncset.done $0x0  }
0x6b: {  	[sflag:s2] =	ssyncadd.s32 $0xFFFFFE00  }
0x6c: {  	_ =	swait.ge [sflag:s2], $0x200  }
0x6d: {  	[sflag:s2] =	ssyncset.done $0x0  }
0x6e: {  	[sflag:s2] =	ssyncadd.s32 $0xFFFFFE00  }
.Ltmp2:
0x6f: {  	_ =	swait.ge [sflag:s2], $0x200;
	(pc) =	sbr.rel @p0 .LBB2_6-.Ltmp2, $4  }
0x70: {  	[sflag:s2] =	ssyncset.done $0x0  }
0x71: {  	[sflag:s2] =	ssyncadd.s32 $0xFFFFFE00  }
0x72: {  	_ =	swait.ge [sflag:s2], $0x200  }
0x73: {  	[sflag:s2] =	ssyncset.done $0x0  }
0x74: {  	[sflag:s2] =	ssyncadd.s32 $0xFFFFFE00  }
.LBB2_8:
0x75: {  	_ =	swait.ge [sflag:s0], $0xC8  }
0x76: {  	[sflag:s0] =	ssyncset.done $0x0  }
0x77: {  	[sflag:s0] =	ssyncadd.s32 $0xFFFFFF38  }
0x78: {  	_ =	swait.ge [sflag:s0], $0xC8  }
0x79: {  	[sflag:s0] =	ssyncset.done $0x0  }
0x7a: {  	[sflag:s0] =	ssyncadd.s32 $0xFFFFFF38  }
0x7b: {  	_ =	swait.ge [sflag:s0], $0xC8  }
0x7c: {  	[sflag:s0] =	ssyncset.done $0x0  }
0x7d: {  	[sflag:s0] =	ssyncadd.s32 $0xFFFFFF38  }
0x7e: {  	_ =	swait.ge [sflag:s0], $0xC8  }
0x7f: {  	[sflag:s0] =	ssyncset.done $0x0  }
0x80: {  	s17 =	simm.s32 $0xCE40;
	[sflag:s0] =	ssyncadd.s32 $0xFFFFFF38  }
0x81: {  	[tilespmem:s17], [sflag:$0x2] =	stream.indirect.gather [hbm4b:s3+s24], $0x40, s28, s24, $0xb8;
	[tilespmem:$0x19640] =	vst v63  }
0x82: {  	s26 =	simm.s32 $0x10040;
	s25 =	sshll.u32 s13, $0x1;
	p0 =	seq.s32 s13, $0x3F  }
0x83: {  	[tilespmem:s26], [sflag:$0x2] =	stream.indirect.gather [hbm4b:s4+s24], $0x40, s29, s24, $0xb8;
	[tilespmem:$0x19640] =	vst v63  }
0x84: {  	s18 =	simm.s32 $0x13240;
	s17 =	sadd.s32 @!p0 s25, s19  }
0x85: {  	[tilespmem:s18], [sflag:$0x2] =	stream.indirect.gather [hbm4b:s5+s24], $0x40, s30, s24, $0xb8;
	[tilespmem:$0x19640] =	vst v63  }
0x86: {  	s17 =	smul.u32 @!p0 $0x19, s17;
	s18 =	simm.s32 $0x16440  }
0x87: {  	[tilespmem:s18], [sflag:$0x2] =	stream.indirect.gather [hbm4b:s6+s24], $0x40, s31, s24, $0xb8;
	[tilespmem:$0x19640] =	vst v63  }
0x88: {  	s21 =	simm.s32 @!p0 $0x0;
	s18 =	sadd.s32 @!p0 s7, s17  }
0x89: {  	[tilespmem:s21], [sflag:$0x1] =	stream.linear.gather @!p0 [hbm4b:s18+s21], $0xC8, $0x38;
	[tilespmem:$0x19640] =	vst v63  }
0x8a: {  	s26 =	simm.s32 @!p0 $0xC8;
	s18 =	sadd.s32 @!p0 s8, s17  }
0x8b: {  	[tilespmem:s26], [sflag:$0x1] =	stream.linear.gather @!p0 [hbm4b:s18+s21], $0xC8, $0x38;
	[tilespmem:$0x19640] =	vst v63  }
0x8c: {  	s18 =	sadd.s32 @!p0 s9, s17;
	s26 =	simm.s32 @!p0 $0x190  }
0x8d: {  	[tilespmem:s26], [sflag:$0x1] =	stream.linear.gather @!p0 [hbm4b:s18+s21], $0xC8, $0x38;
	[tilespmem:$0x19640] =	vst v63  }
0x8e: {  	s17 =	sadd.s32 @!p0 s10, s17;
	s18 =	simm.s32 @!p0 $0x258  }
0x8f: {  	[tilespmem:s18], [sflag:$0x1] =	stream.linear.gather @!p0 [hbm4b:s17+s21], $0xC8, $0x38;
	[tilespmem:$0x19640] =	vst v63  }
0x90: {  	_ =	swait.ge [sflag:s14], $0x3200  }
0x91: {  	[sflag:s14] =	ssyncset.done $0x0  }
0x92: {  	[sflag:s14] =	ssyncadd.s32 $0xFFFFCE00  }
0x93: {  	_ =	swait.ge [sflag:s14], $0x3200  }
0x94: {  	[sflag:s14] =	ssyncset.done $0x0  }
0x95: {  	[sflag:s14] =	ssyncadd.s32 $0xFFFFCE00  }
0x96: {  	_ =	swait.ge [sflag:s14], $0x3200  }
0x97: {  	[sflag:s14] =	ssyncset.done $0x0  }
0x98: {  	[sflag:s14] =	ssyncadd.s32 $0xFFFFCE00  }
0x99: {  	_ =	swait.ge [sflag:s14], $0x3200  }
0x9a: {  	[sflag:s14] =	ssyncset.done $0x0  }
0x9b: {  	s21 =	simm.s32 $0xCE40;
	s18 =	sadd.s32 $0x0, s11;
	[sflag:s14] =	ssyncadd.s32 $0xFFFFCE00  }
0x9c: {  	[hbm4b:s18+s15] =	stream.strided.scatter [tilespmem:s21], [sflag:$0x4], $0x200, s16, s15, $0x38;
	[tilespmem:$0x19640] =	vst v63  }
0x9d: {  	s26 =	simm.s32 $0x10040;
	s22 =	sadd.s32 $0x8, s18  }
0x9e: {  	[hbm4b:s22+s15] =	stream.strided.scatter [tilespmem:s26], [sflag:$0x4], $0x200, s16, s15, $0x38;
	[tilespmem:$0x19640] =	vst v63  }
0x9f: {  	s17 =	simm.s32 $0xD040;
	s22 =	sadd.s32 $0x80, s18;
	s26 =	simm.s32 $0x13240  }
0xa0: {  	[hbm4b:s22+s15] =	stream.strided.scatter [tilespmem:s26], [sflag:$0x4], $0x200, s16, s15, $0x38;
	[tilespmem:$0x19640] =	vst v63  }
0xa1: {  	s21 =	simm.s32 $0x16440;
	s18 =	sadd.s32 $0x88, s18;
	s26 =	simm.s32 $0x100  }
.LBB2_9:
0xa2: {  	[hbm4b:s18+s15] =	stream.strided.scatter [tilespmem:s21], [sflag:$0x4], $0x200, s16, s15, $0x38;
	[tilespmem:$0x19640] =	vst v63  }
0xa3: {  	s18 =	sadd.s32 s26, s11;
	p1 =	sne.s32 s26, $0x1800;
	s26 =	sadd.s32 $0x100, s26  }
0xa4: {  	[hbm4b:s18+s15] =	stream.strided.scatter [tilespmem:s17], [sflag:$0x4], $0x200, s16, s15, $0x38;
	[tilespmem:$0x19640] =	vst v63  }
.Ltmp3:
0xa5: {  	s22 =	sadd.s32 $0x3200, s17;
	s21 =	sadd.s32 $0x8, s18;
	(pc) =	sbr.rel @p1 .LBB2_9-.Ltmp3, $4  }
0xa6: {  	[hbm4b:s21+s15] =	stream.strided.scatter [tilespmem:s22], [sflag:$0x4], $0x200, s16, s15, $0x38;
	[tilespmem:$0x19640] =	vst v63  }
0xa7: {  	s21 =	sadd.s32 $0x80, s18;
	s22 =	sadd.s32 $0x6400, s17  }
0xa8: {  	[hbm4b:s21+s15] =	stream.strided.scatter [tilespmem:s22], [sflag:$0x4], $0x200, s16, s15, $0x38;
	[tilespmem:$0x19640] =	vst v63  }
0xa9: {  	s18 =	sadd.s32 $0x88, s18;
	s21 =	sadd.s32 $0x9600, s17;
	s17 =	sadd.s32 $0x200, s17  }
0xaa: {  	[hbm4b:s18+s15] =	stream.strided.scatter [tilespmem:s21], [sflag:$0x4], $0x200, s16, s15, $0x38;
	[tilespmem:$0x19640] =	vst v63  }
0xab: {  	_ =	swait.ge [sflag:s23], $0x200  }
0xac: {  	[sflag:s23] =	ssyncset.done $0x0  }
0xad: {  	[sflag:s23] =	ssyncadd.s32 $0xFFFFFE00  }
0xae: {  	_ =	swait.ge [sflag:s23], $0x200  }
0xaf: {  	[sflag:s23] =	ssyncset.done $0x0  }
0xb0: {  	[sflag:s23] =	ssyncadd.s32 $0xFFFFFE00  }
0xb1: {  	_ =	swait.ge [sflag:s23], $0x200  }
0xb2: {  	[sflag:s23] =	ssyncset.done $0x0  }
0xb3: {  	[sflag:s23] =	ssyncadd.s32 $0xFFFFFE00  }
0xb4: {  	_ =	swait.ge [sflag:s23], $0x200  }
0xb5: {  	s26 =	simm.s32 $0x18;
	[sflag:s23] =	ssyncset.done $0x0  }
.LBB2_11:
0xb6: {  	p1 =	sne.s32 s26, $0x1;
	s26 =	sadd.s32 $0xFFFFFFFF, s26;
	[sflag:s23] =	ssyncadd.s32 $0xFFFFFE00  }
0xb7: {  	_ =	swait.ge [sflag:s23], $0x200  }
0xb8: {  	[sflag:s23] =	ssyncset.done $0x0  }
0xb9: {  	[sflag:s23] =	ssyncadd.s32 $0xFFFFFE00  }
0xba: {  	_ =	swait.ge [sflag:s23], $0x200  }
0xbb: {  	[sflag:s23] =	ssyncset.done $0x0  }
0xbc: {  	[sflag:s23] =	ssyncadd.s32 $0xFFFFFE00  }
.Ltmp4:
0xbd: {  	_ =	swait.ge [sflag:s23], $0x200;
	(pc) =	sbr.rel @p1 .LBB2_11-.Ltmp4, $4  }
0xbe: {  	[sflag:s23] =	ssyncset.done $0x0  }
0xbf: {  	[sflag:s23] =	ssyncadd.s32 $0xFFFFFE00  }
0xc0: {  	_ =	swait.ge [sflag:s23], $0x200  }
0xc1: {  	[sflag:s23] =	ssyncset.done $0x0  }
.Ltmp5:
0xc2: {  	(pc) =	sbr.rel @p0 .LBB2_14-.Ltmp5, $2  }
0xc3: {  	_ =	sdelay $0x2  }
0xc4: {  	[sflag:s23] =	ssyncadd.s32 $0xFFFFFE00  }
0xc5: {  	_ =	swait.ge [sflag:s0], $0xC8  }
0xc6: {  	[sflag:s0] =	ssyncset.done $0x0  }
0xc7: {  	[sflag:s0] =	ssyncadd.s32 $0xFFFFFF38  }
0xc8: {  	_ =	swait.ge [sflag:s0], $0xC8  }
0xc9: {  	[sflag:s0] =	ssyncset.done $0x0  }
0xca: {  	[sflag:s0] =	ssyncadd.s32 $0xFFFFFF38  }
0xcb: {  	_ =	swait.ge [sflag:s0], $0xC8  }
0xcc: {  	[sflag:s0] =	ssyncset.done $0x0  }
0xcd: {  	[sflag:s0] =	ssyncadd.s32 $0xFFFFFF38  }
0xce: {  	_ =	swait.ge [sflag:s0], $0xC8  }
0xcf: {  	[sflag:s0] =	ssyncset.done $0x0  }
0xd0: {  	s17 =	simm.s32 $0x640;
	[sflag:s0] =	ssyncadd.s32 $0xFFFFFF38  }
0xd1: {  	[tilespmem:s17], [sflag:$0x2] =	stream.indirect.gather [hbm4b:s3+s24], $0x40, s1, s24, $0xb8;
	[tilespmem:$0x19640] =	vst v63  }
0xd2: {  	s21 =	simm.s32 $0x3840  }
0xd3: {  	[tilespmem:s21], [sflag:$0x2] =	stream.indirect.gather [hbm4b:s4+s24], $0x40, s24, s24, $0xb8;
	[tilespmem:$0x19640] =	vst v63  }
0xd4: {  	s22 =	simm.s32 $0x190;
	s18 =	simm.s32 $0x6A40;
	s25 =	sadd.s32 s25, s20  }
0xd5: {  	[tilespmem:s18], [sflag:$0x2] =	stream.indirect.gather [hbm4b:s5+s24], $0x40, s22, s24, $0xb8;
	[tilespmem:$0x19640] =	vst v63  }
0xd6: {  	s26 =	simm.s32 $0x258;
	s17 =	smul.u32 $0x19, s25;
	s21 =	simm.s32 $0x9C40  }
0xd7: {  	[tilespmem:s21], [sflag:$0x2] =	stream.indirect.gather [hbm4b:s6+s24], $0x40, s26, s24, $0xb8;
	[tilespmem:$0x19640] =	vst v63  }
0xd8: {  	s22 =	sadd.s32 s7, s17  }
0xd9: {  	[tilespmem:s28], [sflag:$0x1] =	stream.linear.gather [hbm4b:s22+s1], $0xC8, $0x38;
	[tilespmem:$0x19640] =	vst v63  }
0xda: {  	s25 =	sadd.s32 s8, s17  }
0xdb: {  	[tilespmem:s29], [sflag:$0x1] =	stream.linear.gather [hbm4b:s25+s1], $0xC8, $0x38;
	[tilespmem:$0x19640] =	vst v63  }
.Ltmp6:
0xdc: {  	_ = 	snop;
	(pc) =	sbr.rel .LBB2_2-.Ltmp6, $4  }
0xdd: {  	s13 =	sadd.s32 $0x1, s13;
	s26 =	sadd.s32 s9, s17  }
0xde: {  	[tilespmem:s30], [sflag:$0x1] =	stream.linear.gather [hbm4b:s26+s1], $0xC8, $0x38;
	[tilespmem:$0x19640] =	vst v63  }
0xdf: {  	s12 =	sadd.s32 $0x3200, s12;
	s11 =	sadd.s32 $0x3200, s11;
	s17 =	sadd.s32 s10, s17  }
0xe0: {  	[tilespmem:s31], [sflag:$0x1] =	stream.linear.gather [hbm4b:s17+s1], $0xC8, $0x38;
	[tilespmem:$0x19640] =	vst v63  }
.LBB2_14:
0xe1: {  	_ =	swait.ge [sflag:s2], $0x200  }
0xe2: {  	[sflag:s2] =	ssyncset.done $0x0  }
0xe3: {  	[sflag:s2] =	ssyncadd.s32 $0xFFFFFE00  }
0xe4: {  	_ =	swait.ge [sflag:s2], $0x200  }
0xe5: {  	[sflag:s2] =	ssyncset.done $0x0  }
0xe6: {  	[sflag:s2] =	ssyncadd.s32 $0xFFFFFE00  }
0xe7: {  	_ =	swait.ge [sflag:s2], $0x200  }
0xe8: {  	[sflag:s2] =	ssyncset.done $0x0  }
0xe9: {  	[sflag:s2] =	ssyncadd.s32 $0xFFFFFE00  }
0xea: {  	_ =	swait.ge [sflag:s2], $0x200  }
0xeb: {  	s11 =	simm.s32 $0x18;
	[sflag:s2] =	ssyncset.done $0x0;
	s12 =	rddreg [dreg:$0xe]  }
.LBB2_15:
0xec: {  	p0 =	sne.s32 s11, $0x1;
	s11 =	sadd.s32 $0xFFFFFFFF, s11;
	[sflag:s2] =	ssyncadd.s32 $0xFFFFFE00  }
0xed: {  	_ =	swait.ge [sflag:s2], $0x200  }
0xee: {  	[sflag:s2] =	ssyncset.done $0x0  }
0xef: {  	[sflag:s2] =	ssyncadd.s32 $0xFFFFFE00  }
0xf0: {  	_ =	swait.ge [sflag:s2], $0x200  }
0xf1: {  	[sflag:s2] =	ssyncset.done $0x0  }
0xf2: {  	[sflag:s2] =	ssyncadd.s32 $0xFFFFFE00  }
.Ltmp7:
0xf3: {  	_ =	swait.ge [sflag:s2], $0x200;
	(pc) =	sbr.rel @p0 .LBB2_15-.Ltmp7, $4  }
0xf4: {  	[sflag:s2] =	ssyncset.done $0x0  }
0xf5: {  	[sflag:s2] =	ssyncadd.s32 $0xFFFFFE00  }
0xf6: {  	_ =	swait.ge [sflag:s2], $0x200  }
0xf7: {  	[sflag:s2] =	ssyncset.done $0x0  }
0xf8: {  	s12 =	sadd.s32 $0x1, s12;
	s11 =	rddreg [dreg:$0xb]  }
0xf9: {  	p0 =	sne.s32 s12, s11  }
.Ltmp8:
0xfa: {  	_ = 	snop;
	(pc) =	sbr.rel @p0 .LBB2_1-.Ltmp8, $2  }
0xfb: {  	_ =	sdelay $0x2  }
0xfc: {  	[sflag:s2] =	ssyncadd.s32 $0xFFFFFE00  }
0xfd: {  	_ =	sfence.sel $0x180000  }
0xfe: {  	[bflag:$0x0] =	sbarrier.arrive $0xFFFF  }
0xff: {  	_ =	strace $0x90000047  }
0x100: {  	s0 =	stileid.u32;
	[bflag:$0x2] =	sbarrier.arrive $0xFFFF  }
0x101: {  	p0 =	sne.s32 s0, $0x0;
	s0 =	rddreg [dreg:$0x2]  }
0x102: {  	s0 =	sadd.s32 @!p0 $0x100000, s0  }
0x103: {  	[sflag:s0] =	ssyncadd.tile.s32 @!p0 $0x1;
	_ =	shalt  }
.Lfunc_end2:
_tile_overlayer_lowered:
.L_overlay_start_2:
0x104: {  	(tag) =	ssettag $0x2  }
0x105: {  	s0 =	rddreg [dreg:$0x0];
	s2 =	stileid.u32  }
0x106: {  	s1 =	rddreg [dreg:$0x1];
	p0 =	sne.s32 s2, $0x0  }
0x107: {  	s3 =	rddreg [dreg:$0x2];
	[bflag:$0x3] =	sbarrier.arrive $0xFFFF;
	s2 =	simm.s32 @!p0 $0x1C05  }
0x108: {  	[timem:s3], [sflag:s2] =	dma.local @!p0 [hbm:s0], s1  }
0x109: {  	s0 =	simm.s32 @!p0 $0x5  }
0x10a: {  	_ =	swait.ge @!p0 [sflag:s0], s1  }
0x10b: {  	s1 =	ssub.s32 @!p0 $0x0, s1;
	[sflag:s0] =	ssyncset.done @!p0 $0x0  }
0x10c: {  	[sflag:s0] =	ssyncadd.s32 @!p0 s1  }
0x10d: {  	[bflag:$0x3] =	sbarrier.arrive $0xFFFF  }
0x10e: {  	_ =	shalt  }

</sc_bundles>
